<compile_context>
chip_gen: v7x
topology: tpu7x:2x2x1
jax: 0.10.2.dev20260603
libtpu: 0.0.44.dev20260713+nightly
codegen_flags: <defaults>
</compile_context>

<pallas_src>
import jax
import jax.numpy as jnp
from jax import lax
from jax.experimental import pallas as pl
from jax.experimental.pallas import tpu as pltpu
from jax.experimental.pallas import tpu_sc as plsc

CONF_THRES = 0.25
IOU_THRES = 0.45
MAX_DET = 300

N = 20000
L = 16
NT = 16
PER = 1280
NPAD = NT * PER
CHUNKS = PER // L
OUT_ROWS = 304
BIG = 2**30
ROW = 128


def _iota16():
    return lax.broadcasted_iota(jnp.int32, (L,), 0)


def _spf(x):
    return jnp.full((L,), x, jnp.float32)


def _spi(x):
    return jnp.full((L,), x, jnp.int32)


def _iou16(ax1, ay1, ax2, ay2, bx1, by1, bx2, by2, area_a):
    ltx = jnp.maximum(ax1, bx1)
    lty = jnp.maximum(ay1, by1)
    rbx = jnp.minimum(ax2, bx2)
    rby = jnp.minimum(ay2, by2)
    iw = jnp.maximum(rbx - ltx, 0.0)
    ih = jnp.maximum(rby - lty, 0.0)
    inter = iw * ih
    area_b = (bx2 - bx1) * (by2 - by1)
    return inter / (area_a + area_b - inter + 1e-9)


def _sc_body(x1h, y1h, x2h, y2h, sh, outh,
             x1v, y1v, x2v, y2v, wv, pubv, gv, obuf, pub_sp):
    cid = lax.axis_index("c")
    sid = lax.axis_index("s")

    @pl.when(cid == 0)
    def _run():
        base = sid * PER
        pltpu.sync_copy(x1h.at[pl.ds(base, PER)], x1v)
        pltpu.sync_copy(y1h.at[pl.ds(base, PER)], y1v)
        pltpu.sync_copy(x2h.at[pl.ds(base, PER)], x2v)
        pltpu.sync_copy(y2h.at[pl.ds(base, PER)], y2v)
        pltpu.sync_copy(sh.at[pl.ds(base, PER)], wv)
        iota = _iota16()
        ninf = jnp.full((L,), -jnp.inf, jnp.float32)

        def top2_insert(r1, i1, r2, i2, w, ci):
            above1 = (w > r1) | ((w == r1) & (ci < i1))
            nr1 = jnp.where(above1, w, r1)
            ni1 = jnp.where(above1, ci, i1)
            dv = jnp.where(above1, r1, w)
            di = jnp.where(above1, i1, ci)
            above2 = (dv > r2) | ((dv == r2) & (di < i2))
            nr2 = jnp.where(above2, dv, r2)
            ni2 = jnp.where(above2, di, i2)
            return nr1, ni1, nr2, ni2

        @plsc.parallel_loop(0, CHUNKS, unroll=4,
                            carry=(ninf, iota, ninf, iota))
        def init_loop(k, carry):
            r1, i1, r2, i2 = carry
            sl = pl.ds(k * L, L)
            s = wv[sl]
            w = jnp.where(s >= CONF_THRES, s, -jnp.inf)
            wv[sl] = w
            return top2_insert(r1, i1, r2, i2, w, k * L + iota)

        r1, i1, r2, i2 = init_loop

        def publish(r1, i1, r2, i2):
            m1 = jnp.max(r1)
            l1 = jnp.min(jnp.where(r1 == m1, i1, BIG))
            winlane = i1 == l1
            c = jnp.where(winlane, r2, r1)
            cidx = jnp.where(winlane, i2, i1)
            m2 = jnp.max(c)
            l2 = jnp.min(jnp.where(c == m2, cidx, BIG))
            for off, m, li in ((0, m1, l1), (ROW, m2, l2)):
                lidx = _spi(li)
                pubv[pl.ds(off, L)] = _spf(m)
                pubv[pl.ds(off + L, L)] = plsc.bitcast(
                    _spi(li + base), jnp.float32)
                pubv[pl.ds(off + 2 * L, L)] = plsc.load_gather(x1v, [lidx])
                pubv[pl.ds(off + 3 * L, L)] = plsc.load_gather(y1v, [lidx])
                pubv[pl.ds(off + 4 * L, L)] = plsc.load_gather(x2v, [lidx])
                pubv[pl.ds(off + 5 * L, L)] = plsc.load_gather(y2v, [lidx])

        publish(r1, i1, r2, i2)

        def round_body(carry):
            oi, it = carry
            slot = it & 1
            pltpu.sync_copy(pubv, pub_sp.at[slot, sid])
            plsc.subcore_barrier()
            pltpu.sync_copy(pub_sp.at[slot], gv)

            rows = iota
            mall1 = plsc.load_gather(gv, [rows, _spi(0)])
            iall1 = plsc.bitcast(plsc.load_gather(gv, [rows, _spi(L)]),
                                 jnp.int32)
            mall2 = plsc.load_gather(gv, [rows, _spi(ROW)])
            iall2 = plsc.bitcast(plsc.load_gather(gv, [rows, _spi(ROW + L)]),
                                 jnp.int32)

            gmax1 = jnp.max(mall1)
            gj1 = jnp.min(jnp.where(mall1 == gmax1, iall1, BIG))
            sel1 = iall1 == gj1
            row1 = plsc.all_reduce_ffs(sel1)
            gm1 = plsc.load_gather(gv, [row1, _spi(0)])
            x1a = plsc.load_gather(gv, [row1, _spi(2 * L)])
            y1a = plsc.load_gather(gv, [row1, _spi(3 * L)])
            x2a = plsc.load_gather(gv, [row1, _spi(4 * L)])
            y2a = plsc.load_gather(gv, [row1, _spi(5 * L)])

            c2 = jnp.where(sel1, mall2, mall1)
            ci2 = jnp.where(sel1, iall2, iall1)
            cs2 = jnp.where(sel1, ROW, 0)
            gmax2 = jnp.max(c2)
            gj2 = jnp.min(jnp.where(c2 == gmax2, ci2, BIG))
            sel2 = ci2 == gj2
            row2 = plsc.all_reduce_ffs(sel2)
            s2 = jnp.min(jnp.where(sel2, cs2, BIG))
            s2v = _spi(s2)
            gm2 = plsc.load_gather(gv, [row2, s2v])
            x1b = plsc.load_gather(gv, [row2, s2v + 2 * L])
            y1b = plsc.load_gather(gv, [row2, s2v + 3 * L])
            x2b = plsc.load_gather(gv, [row2, s2v + 4 * L])
            y2b = plsc.load_gather(gv, [row2, s2v + 5 * L])

            area_a = (x2a - x1a) * (y2a - y1a)
            iou12 = _iou16(x1a, y1a, x2a, y2a, x1b, y1b, x2b, y2b, area_a)
            bad2 = jnp.max(jnp.where(iou12 > IOU_THRES, 1, 0))
            valid2 = bad2 == 0

            @pl.when(sid == 0)
            def _write():
                fin1 = gm1 > _spf(-jnp.inf)
                rowv = jnp.where(iota == 0, x1a,
                       jnp.where(iota == 1, y1a,
                       jnp.where(iota == 2, x2a,
                       jnp.where(iota == 3, y2a,
                       jnp.where(iota == 4, gm1, _spf(0.0))))))
                obuf[pl.ds(oi * L, L)] = jnp.where(fin1, rowv, _spf(0.0))

                @pl.when(valid2)
                def _write2():
                    fin2 = gm2 > _spf(-jnp.inf)
                    rw2 = jnp.where(iota == 0, x1b,
                          jnp.where(iota == 1, y1b,
                          jnp.where(iota == 2, x2b,
                          jnp.where(iota == 3, y2b,
                          jnp.where(iota == 4, gm2, _spf(0.0))))))
                    obuf[pl.ds((oi + 1) * L, L)] = jnp.where(
                        fin2, rw2, _spf(0.0))

            v2f = jnp.where(valid2, _spf(1.0), _spf(0.0))
            ex1b = x1b * v2f
            ey1b = y1b * v2f
            ex2b = x2b * v2f
            ey2b = y2b * v2f
            area_b2 = (ex2b - ex1b) * (ey2b - ey1b)
            gj2e = jnp.where(valid2, gj2, -1)

            @plsc.parallel_loop(0, CHUNKS, unroll=2,
                                carry=(ninf, iota, ninf, iota))
            def supp_loop(k, carry2):
                r1, i1, r2, i2 = carry2
                sl = pl.ds(k * L, L)
                x1c = x1v[sl]
                y1c = y1v[sl]
                x2c = x2v[sl]
                y2c = y2v[sl]
                w = wv[sl]
                a2c = (x2c - x1c) * (y2c - y1c)
                ltx = jnp.maximum(x1a, x1c)
                lty = jnp.maximum(y1a, y1c)
                rbx = jnp.minimum(x2a, x2c)
                rby = jnp.minimum(y2a, y2c)
                iw = jnp.maximum(rbx - ltx, 0.0)
                ih = jnp.maximum(rby - lty, 0.0)
                inter = iw * ih
                iou1 = inter / (area_a + a2c - inter + 1e-9)
                ltx2 = jnp.maximum(ex1b, x1c)
                lty2 = jnp.maximum(ey1b, y1c)
                rbx2 = jnp.minimum(ex2b, x2c)
                rby2 = jnp.minimum(ey2b, y2c)
                iw2 = jnp.maximum(rbx2 - ltx2, 0.0)
                ih2 = jnp.maximum(rby2 - lty2, 0.0)
                inter2 = iw2 * ih2
                iou2 = inter2 / (area_b2 + a2c - inter2 + 1e-9)
                ci = k * L + iota
                g = base + ci
                kill = (iou1 > IOU_THRES) | (iou2 > IOU_THRES) \
                    | (g == gj1) | (g == gj2e)
                w2w = jnp.where(kill, -jnp.inf, w)
                wv[sl] = w2w
                return top2_insert(r1, i1, r2, i2, w2w, ci)

            nr1, ni1, nr2, ni2 = supp_loop
            publish(nr1, ni1, nr2, ni2)
            oi_next = oi + jnp.where(valid2, 2, 1)
            return oi_next, it + 1

        lax.while_loop(lambda c: c[0] < MAX_DET, round_body,
                       (jnp.int32(0), jnp.int32(0)))

        @pl.when(sid == 0)
        def _finish():
            pltpu.sync_copy(obuf, outh)


@jax.jit
def kernel(boxes, scores):
    bp = jnp.pad(boxes, ((0, NPAD - N), (0, 0)))
    sp = jnp.pad(scores, (0, NPAD - N))
    mesh = plsc.VectorSubcoreMesh(core_axis_name="c", subcore_axis_name="s",
                                  num_cores=2, num_subcores=NT)
    call = pl.kernel(
        _sc_body,
        out_type=jax.ShapeDtypeStruct((OUT_ROWS * L,), jnp.float32),
        mesh=mesh,
        compiler_params=pltpu.CompilerParams(needs_layout_passes=False),
        scratch_types=[
            pltpu.VMEM((PER,), jnp.float32),
            pltpu.VMEM((PER,), jnp.float32),
            pltpu.VMEM((PER,), jnp.float32),
            pltpu.VMEM((PER,), jnp.float32),
            pltpu.VMEM((PER,), jnp.float32),
            pltpu.VMEM((2 * ROW,), jnp.float32),
            pltpu.VMEM((NT, 2 * ROW), jnp.float32),
            pltpu.VMEM((OUT_ROWS * L,), jnp.float32),
            pltpu.VMEM_SHARED((2, NT, 2 * ROW), jnp.float32),
        ],
    )
    out = call(bp[:, 0], bp[:, 1], bp[:, 2], bp[:, 3], sp)
    return out.reshape(OUT_ROWS, L)[:MAX_DET, :5]

# --- scband reference (transcript-rebuilt; emitter-appended) ---
"""Pipeline reference for scband-auto-shape-1889785610830 (READ-ONLY COPY).

The authoritative reference and input builder live on the scoring server;
editing this copy changes nothing except your own understanding.
"""

import jax, jax.numpy as jnp
import numpy as np

CONF_THRES = 0.25
IOU_THRES = 0.45
MAX_DET = 300


def setup_inputs(seed: int = 0) -> dict:
    key = jax.random.key(seed)
    k1, k2, k3 = jax.random.split(key, 3)
    N = 20000
    xy = jax.random.uniform(k1, (N, 2), dtype=jnp.float32) * 600.0
    wh = jax.random.uniform(k2, (N, 2), dtype=jnp.float32) * 60.0 + 4.0
    boxes = jnp.concatenate([xy, xy + wh], axis=1)  # xyxy, in-image coords
    scores = jax.random.uniform(k3, (N,), dtype=jnp.float32)
    return {"boxes": boxes, "scores": scores}


def _iou_one_vs_all(box, boxes):
    # box: [4] (x1,y1,x2,y2); boxes: [N,4]
    lt = jnp.maximum(box[:2], boxes[:, :2])
    rb = jnp.minimum(box[2:], boxes[:, 2:])
    wh = jnp.clip(rb - lt, 0.0, None)
    inter = wh[:, 0] * wh[:, 1]
    area1 = (box[2] - box[0]) * (box[3] - box[1])
    area2 = (boxes[:, 2] - boxes[:, 0]) * (boxes[:, 3] - boxes[:, 1])
    return inter / (area1 + area2 - inter + 1e-9)


def reference(boxes, scores):
    # Greedy hard NMS, the core of autoShape's non_max_suppression(y, conf, iou).
    N = scores.shape[0]
    bx = jax.lax.stop_gradient(boxes)
    sc = jax.lax.stop_gradient(scores)
    work = jnp.where(sc >= CONF_THRES, sc, -jnp.inf)

    sel0 = jnp.zeros((MAX_DET,), dtype=jnp.int32)
    val0 = jnp.full((MAX_DET,), -jnp.inf, dtype=jnp.float32)

    def body(i, state):
        work, sel, vals = state
        j = jnp.argmax(work).astype(jnp.int32)
        vals = vals.at[i].set(work[j])
        sel = sel.at[i].set(j)
        iou = _iou_one_vs_all(bx[j], bx)
        work = jnp.where(iou > IOU_THRES, -jnp.inf, work)
        work = work.at[j].set(-jnp.inf)
        return (work, sel, vals)

    _, sel, vals = jax.lax.fori_loop(0, MAX_DET, body, (work, sel0, val0))

    valid = jnp.isfinite(vals)  # slots actually filled before exhaustion
    sel_boxes = jnp.take(boxes, sel, axis=0)          # gather (SparseCore-friendly)
    sel_scores = jnp.take(scores, sel, axis=0)
    out = jnp.concatenate([sel_boxes, sel_scores[:, None]], axis=1)  # [MAX_DET, 5]
    out = jnp.where(valid[:, None], out, 0.0)
    return out

if __name__ == "__main__":
    import jax
    _d = setup_inputs()
    print(jax.jit(kernel)(*tuple(_d.values())))

</pallas_src>

<mosaic_0001>
#map = affine_map<(d0, d1) -> (0)>
module attributes {stable_mosaic.version = 14 : i64} {
  func.func @_sc_body(%arg0: i32, %arg1: i32, %arg2: memref<20480xf32, #tpu.memory_space<hbm>>, %arg3: memref<20480xf32, #tpu.memory_space<hbm>>, %arg4: memref<20480xf32, #tpu.memory_space<hbm>>, %arg5: memref<20480xf32, #tpu.memory_space<hbm>>, %arg6: memref<20480xf32, #tpu.memory_space<hbm>>, %arg7: memref<4864xf32, #tpu.memory_space<hbm>>, %arg8: memref<1280xf32, #tpu.memory_space<vmem>>, %arg9: memref<1280xf32, #tpu.memory_space<vmem>>, %arg10: memref<1280xf32, #tpu.memory_space<vmem>>, %arg11: memref<1280xf32, #tpu.memory_space<vmem>>, %arg12: memref<1280xf32, #tpu.memory_space<vmem>>, %arg13: memref<256xf32, #tpu.memory_space<vmem>>, %arg14: memref<16x256xf32, #tpu.memory_space<vmem>>, %arg15: memref<4864xf32, #tpu.memory_space<vmem>>, %arg16: memref<2x16x256xf32, #tpu.memory_space<vmem_shared>>) attributes {dimension_semantics = [#tpu.dimension_semantics<core_parallel>, #tpu.dimension_semantics<subcore_parallel>], iteration_bounds = array<i64: 2, 16>, scalar_prefetch = 0 : i64, scratch_operands = 9 : i64, tpu.core_type = #tpu.core_type<sc_vector_subcore>, window_params = [{transform_indices = #map}, {transform_indices = #map}, {transform_indices = #map}, {transform_indices = #map}, {transform_indices = #map}, {transform_indices = #map}]} {
    %eq3A = arith.constant 0 : i32
    %eq3A_0 = arith.cmpi eq, %arg0, %eq3A : i32
    %convert_element_type3A = arith.extui %eq3A_0 : i1 to i32
    %cond3A = arith.constant 0 : i32
    %cond3A_1 = arith.cmpi ne, %convert_element_type3A, %cond3A : i32
    scf.if %cond3A_1 {
      %mul3A = arith.constant 1280 : i32
      %mul3A_2 = arith.muli %arg1, %mul3A : i32
      "tpu.region"() ({
        %run_scoped3A = tpu.sem_alloc : memref<!tpu.dma_semaphore, #tpu.memory_space<semaphore_mem>>
        %dma_start3A = tpu.memref_slice %arg2[%mul3A_2] : memref<20480xf32, #tpu.memory_space<hbm>> -> memref<1280xf32, #tpu.memory_space<hbm>>
        %dma_start3A_86 = tpu.memref_slice %arg2[%mul3A_2] : memref<20480xf32, #tpu.memory_space<hbm>> -> memref<1280xf32, #tpu.memory_space<hbm>>
        tpu.enqueue_dma source(%dma_start3A_86 : memref<1280xf32, #tpu.memory_space<hbm>>) target(%arg8 : memref<1280xf32, #tpu.memory_space<vmem>>) target_semaphore(%run_scoped3A : memref<!tpu.dma_semaphore, #tpu.memory_space<semaphore_mem>>)
        %dma_wait3A = tpu.memref_slice %arg2[%mul3A_2] : memref<20480xf32, #tpu.memory_space<hbm>> -> memref<1280xf32, #tpu.memory_space<hbm>>
        %dma_wait3A_87 = tpu.memref_slice %arg2[%mul3A_2] : memref<20480xf32, #tpu.memory_space<hbm>> -> memref<1280xf32, #tpu.memory_space<hbm>>
        tpu.wait_dma2 semaphore(%run_scoped3A : memref<!tpu.dma_semaphore, #tpu.memory_space<semaphore_mem>>) src(%dma_wait3A_87 : memref<1280xf32, #tpu.memory_space<hbm>>) dst(%arg8 : memref<1280xf32, #tpu.memory_space<vmem>>)
        tpu.yield
      }) : () -> ()
      "tpu.region"() ({
        %run_scoped3A = tpu.sem_alloc : memref<!tpu.dma_semaphore, #tpu.memory_space<semaphore_mem>>
        %dma_start3A = tpu.memref_slice %arg3[%mul3A_2] : memref<20480xf32, #tpu.memory_space<hbm>> -> memref<1280xf32, #tpu.memory_space<hbm>>
        %dma_start3A_86 = tpu.memref_slice %arg3[%mul3A_2] : memref<20480xf32, #tpu.memory_space<hbm>> -> memref<1280xf32, #tpu.memory_space<hbm>>
        tpu.enqueue_dma source(%dma_start3A_86 : memref<1280xf32, #tpu.memory_space<hbm>>) target(%arg9 : memref<1280xf32, #tpu.memory_space<vmem>>) target_semaphore(%run_scoped3A : memref<!tpu.dma_semaphore, #tpu.memory_space<semaphore_mem>>)
        %dma_wait3A = tpu.memref_slice %arg3[%mul3A_2] : memref<20480xf32, #tpu.memory_space<hbm>> -> memref<1280xf32, #tpu.memory_space<hbm>>
        %dma_wait3A_87 = tpu.memref_slice %arg3[%mul3A_2] : memref<20480xf32, #tpu.memory_space<hbm>> -> memref<1280xf32, #tpu.memory_space<hbm>>
        tpu.wait_dma2 semaphore(%run_scoped3A : memref<!tpu.dma_semaphore, #tpu.memory_space<semaphore_mem>>) src(%dma_wait3A_87 : memref<1280xf32, #tpu.memory_space<hbm>>) dst(%arg9 : memref<1280xf32, #tpu.memory_space<vmem>>)
        tpu.yield
      }) : () -> ()
      "tpu.region"() ({
        %run_scoped3A = tpu.sem_alloc : memref<!tpu.dma_semaphore, #tpu.memory_space<semaphore_mem>>
        %dma_start3A = tpu.memref_slice %arg4[%mul3A_2] : memref<20480xf32, #tpu.memory_space<hbm>> -> memref<1280xf32, #tpu.memory_space<hbm>>
        %dma_start3A_86 = tpu.memref_slice %arg4[%mul3A_2] : memref<20480xf32, #tpu.memory_space<hbm>> -> memref<1280xf32, #tpu.memory_space<hbm>>
        tpu.enqueue_dma source(%dma_start3A_86 : memref<1280xf32, #tpu.memory_space<hbm>>) target(%arg10 : memref<1280xf32, #tpu.memory_space<vmem>>) target_semaphore(%run_scoped3A : memref<!tpu.dma_semaphore, #tpu.memory_space<semaphore_mem>>)
        %dma_wait3A = tpu.memref_slice %arg4[%mul3A_2] : memref<20480xf32, #tpu.memory_space<hbm>> -> memref<1280xf32, #tpu.memory_space<hbm>>
        %dma_wait3A_87 = tpu.memref_slice %arg4[%mul3A_2] : memref<20480xf32, #tpu.memory_space<hbm>> -> memref<1280xf32, #tpu.memory_space<hbm>>
        tpu.wait_dma2 semaphore(%run_scoped3A : memref<!tpu.dma_semaphore, #tpu.memory_space<semaphore_mem>>) src(%dma_wait3A_87 : memref<1280xf32, #tpu.memory_space<hbm>>) dst(%arg10 : memref<1280xf32, #tpu.memory_space<vmem>>)
        tpu.yield
      }) : () -> ()
      "tpu.region"() ({
        %run_scoped3A = tpu.sem_alloc : memref<!tpu.dma_semaphore, #tpu.memory_space<semaphore_mem>>
        %dma_start3A = tpu.memref_slice %arg5[%mul3A_2] : memref<20480xf32, #tpu.memory_space<hbm>> -> memref<1280xf32, #tpu.memory_space<hbm>>
        %dma_start3A_86 = tpu.memref_slice %arg5[%mul3A_2] : memref<20480xf32, #tpu.memory_space<hbm>> -> memref<1280xf32, #tpu.memory_space<hbm>>
        tpu.enqueue_dma source(%dma_start3A_86 : memref<1280xf32, #tpu.memory_space<hbm>>) target(%arg11 : memref<1280xf32, #tpu.memory_space<vmem>>) target_semaphore(%run_scoped3A : memref<!tpu.dma_semaphore, #tpu.memory_space<semaphore_mem>>)
        %dma_wait3A = tpu.memref_slice %arg5[%mul3A_2] : memref<20480xf32, #tpu.memory_space<hbm>> -> memref<1280xf32, #tpu.memory_space<hbm>>
        %dma_wait3A_87 = tpu.memref_slice %arg5[%mul3A_2] : memref<20480xf32, #tpu.memory_space<hbm>> -> memref<1280xf32, #tpu.memory_space<hbm>>
        tpu.wait_dma2 semaphore(%run_scoped3A : memref<!tpu.dma_semaphore, #tpu.memory_space<semaphore_mem>>) src(%dma_wait3A_87 : memref<1280xf32, #tpu.memory_space<hbm>>) dst(%arg11 : memref<1280xf32, #tpu.memory_space<vmem>>)
        tpu.yield
      }) : () -> ()
      "tpu.region"() ({
        %run_scoped3A = tpu.sem_alloc : memref<!tpu.dma_semaphore, #tpu.memory_space<semaphore_mem>>
        %dma_start3A = tpu.memref_slice %arg6[%mul3A_2] : memref<20480xf32, #tpu.memory_space<hbm>> -> memref<1280xf32, #tpu.memory_space<hbm>>
        %dma_start3A_86 = tpu.memref_slice %arg6[%mul3A_2] : memref<20480xf32, #tpu.memory_space<hbm>> -> memref<1280xf32, #tpu.memory_space<hbm>>
        tpu.enqueue_dma source(%dma_start3A_86 : memref<1280xf32, #tpu.memory_space<hbm>>) target(%arg12 : memref<1280xf32, #tpu.memory_space<vmem>>) target_semaphore(%run_scoped3A : memref<!tpu.dma_semaphore, #tpu.memory_space<semaphore_mem>>)
        %dma_wait3A = tpu.memref_slice %arg6[%mul3A_2] : memref<20480xf32, #tpu.memory_space<hbm>> -> memref<1280xf32, #tpu.memory_space<hbm>>
        %dma_wait3A_87 = tpu.memref_slice %arg6[%mul3A_2] : memref<20480xf32, #tpu.memory_space<hbm>> -> memref<1280xf32, #tpu.memory_space<hbm>>
        tpu.wait_dma2 semaphore(%run_scoped3A : memref<!tpu.dma_semaphore, #tpu.memory_space<semaphore_mem>>) src(%dma_wait3A_87 : memref<1280xf32, #tpu.memory_space<hbm>>) dst(%arg12 : memref<1280xf32, #tpu.memory_space<vmem>>)
        tpu.yield
      }) : () -> ()
      %iota3A = tpu.iota {dimensions = array<i32: 0>} : vector<16xi32>
      %broadcast_in_dim3A = arith.constant 0xFF800000 : f32
      %broadcast_in_dim3A_3 = vector.broadcast %broadcast_in_dim3A : f32 to vector<16xf32>
      %parallel_loop3A = arith.constant 0 : i32
      %parallel_loop3A_4 = arith.constant 80 : i32
      %parallel_loop3A_5 = arith.constant 1 : i32
      %parallel_loop3A_6:4 = scf.for %parallel_loop3A_86 = %parallel_loop3A to %parallel_loop3A_4 step %parallel_loop3A_5 iter_args(%parallel_loop3A_87 = %broadcast_in_dim3A_3, %parallel_loop3A_88 = %iota3A, %parallel_loop3A_89 = %broadcast_in_dim3A_3, %parallel_loop3A_90 = %iota3A) -> (vector<16xf32>, vector<16xi32>, vector<16xf32>, vector<16xi32>)  : i32 {
        %parallel_loop3A_91 = arith.constant 16 : i32
        %parallel_loop3A_92 = arith.muli %parallel_loop3A_86, %parallel_loop3A_91 : i32
        %parallel_loop3A_93 = arith.index_cast %parallel_loop3A_92 : i32 to index
        %parallel_loop3A_94 = tpu.vector_load %arg12[%parallel_loop3A_93] {strides = array<i32>} : memref<1280xf32, #tpu.memory_space<vmem>>, vector<16xf32>,
        %parallel_loop3A_95 = arith.constant 2.500000e-01 : f32
        %parallel_loop3A_96 = vector.broadcast %parallel_loop3A_95 : f32 to vector<16xf32>
        %parallel_loop3A_97 = arith.cmpf oge, %parallel_loop3A_94, %parallel_loop3A_96 : vector<16xf32>
        %parallel_loop3A_98 = arith.constant 0xFF800000 : f32
        %parallel_loop3A_99 = vector.broadcast %parallel_loop3A_98 : f32 to vector<16xf32>
        %parallel_loop3A_100 = arith.select %parallel_loop3A_97, %parallel_loop3A_94, %parallel_loop3A_99 : vector<16xi1>, vector<16xf32>
        %parallel_loop3A_101 = arith.index_cast %parallel_loop3A_92 : i32 to index
        %parallel_loop3A_102 = tpu.vector_load %arg12[%parallel_loop3A_101] {strides = array<i32>} : memref<1280xf32, #tpu.memory_space<vmem>>, vector<16xf32>,
        tpu.vector_store %arg12[%parallel_loop3A_101], %parallel_loop3A_100 {strides = array<i32>} : memref<1280xf32, #tpu.memory_space<vmem>>, vector<16xf32>,
        %parallel_loop3A_103 = arith.constant 16 : i32
        %parallel_loop3A_104 = arith.muli %parallel_loop3A_86, %parallel_loop3A_103 : i32
        %parallel_loop3A_105 = vector.broadcast %parallel_loop3A_104 : i32 to vector<16xi32>
        %parallel_loop3A_106 = arith.addi %parallel_loop3A_105, %iota3A : vector<16xi32>
        %parallel_loop3A_107 = arith.cmpf ogt, %parallel_loop3A_100, %parallel_loop3A_87 : vector<16xf32>
        %parallel_loop3A_108 = arith.cmpf oeq, %parallel_loop3A_100, %parallel_loop3A_87 : vector<16xf32>
        %parallel_loop3A_109 = arith.cmpi slt, %parallel_loop3A_106, %parallel_loop3A_88 : vector<16xi32>
        %parallel_loop3A_110 = arith.andi %parallel_loop3A_108, %parallel_loop3A_109 : vector<16xi1>
        %parallel_loop3A_111 = arith.ori %parallel_loop3A_107, %parallel_loop3A_110 : vector<16xi1>
        %parallel_loop3A_112 = arith.select %parallel_loop3A_111, %parallel_loop3A_100, %parallel_loop3A_87 : vector<16xi1>, vector<16xf32>
        %parallel_loop3A_113 = arith.select %parallel_loop3A_111, %parallel_loop3A_106, %parallel_loop3A_88 : vector<16xi1>, vector<16xi32>
        %parallel_loop3A_114 = arith.select %parallel_loop3A_111, %parallel_loop3A_87, %parallel_loop3A_100 : vector<16xi1>, vector<16xf32>
        %parallel_loop3A_115 = arith.select %parallel_loop3A_111, %parallel_loop3A_88, %parallel_loop3A_106 : vector<16xi1>, vector<16xi32>
        %parallel_loop3A_116 = arith.cmpf ogt, %parallel_loop3A_114, %parallel_loop3A_89 : vector<16xf32>
        %parallel_loop3A_117 = arith.cmpf oeq, %parallel_loop3A_114, %parallel_loop3A_89 : vector<16xf32>
        %parallel_loop3A_118 = arith.cmpi slt, %parallel_loop3A_115, %parallel_loop3A_90 : vector<16xi32>
        %parallel_loop3A_119 = arith.andi %parallel_loop3A_117, %parallel_loop3A_118 : vector<16xi1>
        %parallel_loop3A_120 = arith.ori %parallel_loop3A_116, %parallel_loop3A_119 : vector<16xi1>
        %parallel_loop3A_121 = arith.select %parallel_loop3A_120, %parallel_loop3A_114, %parallel_loop3A_89 : vector<16xi1>, vector<16xf32>
        %parallel_loop3A_122 = arith.select %parallel_loop3A_120, %parallel_loop3A_115, %parallel_loop3A_90 : vector<16xi1>, vector<16xi32>
        scf.yield %parallel_loop3A_112, %parallel_loop3A_113, %parallel_loop3A_121, %parallel_loop3A_122 : vector<16xf32>, vector<16xi32>, vector<16xf32>, vector<16xi32>
      } {sc.loop_unroll_factor = 4 : i64, sc.parallel_access}
      %reduce_max3A = arith.constant true
      %reduce_max3A_7 = vector.broadcast %reduce_max3A : i1 to vector<16xi1>
      %reduce_max3A_8 = tpu.scan <max>, %parallel_loop3A_6#0 masked %reduce_max3A_7 : vector<16xf32>, vector<16xi1> -> vector<16xf32>
      %reduce_max3A_9 = vector.extract %reduce_max3A_8[15] : f32 from vector<16xf32>
      %eq3A_10 = vector.broadcast %reduce_max3A_9 : f32 to vector<16xf32>
      %eq3A_11 = arith.cmpf oeq, %parallel_loop3A_6#0, %eq3A_10 : vector<16xf32>
      %jit3A = arith.constant 1073741824 : i32
      %broadcast_in_dim3A_12 = vector.broadcast %jit3A : i32 to vector<16xi32>
      %select_n3A = arith.select %eq3A_11, %parallel_loop3A_6#1, %broadcast_in_dim3A_12 : vector<16xi1>, vector<16xi32>
      %reduce_min3A = arith.constant true
      %reduce_min3A_13 = vector.broadcast %reduce_min3A : i1 to vector<16xi1>
      %reduce_min3A_14 = arith.constant -2147483648 : i32
      %reduce_min3A_15 = vector.broadcast %reduce_min3A_14 : i32 to vector<16xi32>
      %reduce_min3A_16 = arith.xori %select_n3A, %reduce_min3A_15 : vector<16xi32>
      %reduce_min3A_17 = tpu.scan <min>, %reduce_min3A_16 masked %reduce_min3A_13 : vector<16xi32>, vector<16xi1> -> vector<16xi32>
      %reduce_min3A_18 = arith.xori %reduce_min3A_17, %reduce_min3A_15 : vector<16xi32>
      %reduce_min3A_19 = vector.extract %reduce_min3A_18[15] : i32 from vector<16xi32>
      %eq3A_20 = vector.broadcast %reduce_min3A_19 : i32 to vector<16xi32>
      %eq3A_21 = arith.cmpi eq, %parallel_loop3A_6#1, %eq3A_20 : vector<16xi32>
      %select_n3A_22 = arith.select %eq3A_21, %parallel_loop3A_6#2, %parallel_loop3A_6#0 : vector<16xi1>, vector<16xf32>
      %select_n3A_23 = arith.select %eq3A_21, %parallel_loop3A_6#3, %parallel_loop3A_6#1 : vector<16xi1>, vector<16xi32>
      %reduce_max3A_24 = arith.constant true
      %reduce_max3A_25 = vector.broadcast %reduce_max3A_24 : i1 to vector<16xi1>
      %reduce_max3A_26 = tpu.scan <max>, %select_n3A_22 masked %reduce_max3A_25 : vector<16xf32>, vector<16xi1> -> vector<16xf32>
      %reduce_max3A_27 = vector.extract %reduce_max3A_26[15] : f32 from vector<16xf32>
      %eq3A_28 = vector.broadcast %reduce_max3A_27 : f32 to vector<16xf32>
      %eq3A_29 = arith.cmpf oeq, %select_n3A_22, %eq3A_28 : vector<16xf32>
      %jit3A_30 = arith.constant 1073741824 : i32
      %broadcast_in_dim3A_31 = vector.broadcast %jit3A_30 : i32 to vector<16xi32>
      %select_n3A_32 = arith.select %eq3A_29, %select_n3A_23, %broadcast_in_dim3A_31 : vector<16xi1>, vector<16xi32>
      %reduce_min3A_33 = arith.constant true
      %reduce_min3A_34 = vector.broadcast %reduce_min3A_33 : i1 to vector<16xi1>
      %reduce_min3A_35 = arith.constant -2147483648 : i32
      %reduce_min3A_36 = vector.broadcast %reduce_min3A_35 : i32 to vector<16xi32>
      %reduce_min3A_37 = arith.xori %select_n3A_32, %reduce_min3A_36 : vector<16xi32>
      %reduce_min3A_38 = tpu.scan <min>, %reduce_min3A_37 masked %reduce_min3A_34 : vector<16xi32>, vector<16xi1> -> vector<16xi32>
      %reduce_min3A_39 = arith.xori %reduce_min3A_38, %reduce_min3A_36 : vector<16xi32>
      %reduce_min3A_40 = vector.extract %reduce_min3A_39[15] : i32 from vector<16xi32>
      %broadcast_in_dim3A_41 = vector.broadcast %reduce_min3A_19 : i32 to vector<16xi32>
      %broadcast_in_dim3A_42 = vector.broadcast %reduce_max3A_9 : f32 to vector<16xf32>
      %swap3A = arith.constant 0 : index
      %swap3A_43 = tpu.vector_load %arg13[%swap3A] {strides = array<i32>} : memref<256xf32, #tpu.memory_space<vmem>>, vector<16xf32>,
      tpu.vector_store %arg13[%swap3A], %broadcast_in_dim3A_42 {strides = array<i32>} : memref<256xf32, #tpu.memory_space<vmem>>, vector<16xf32>,
      %add3A = arith.addi %reduce_min3A_19, %mul3A_2 : i32
      %broadcast_in_dim3A_44 = vector.broadcast %add3A : i32 to vector<16xi32>
      %bitcast3A = vector.bitcast %broadcast_in_dim3A_44 : vector<16xi32> to vector<16xf32>
      %swap3A_45 = arith.constant 16 : index
      %swap3A_46 = tpu.vector_load %arg13[%swap3A_45] {strides = array<i32>} : memref<256xf32, #tpu.memory_space<vmem>>, vector<16xf32>,
      tpu.vector_store %arg13[%swap3A_45], %bitcast3A {strides = array<i32>} : memref<256xf32, #tpu.memory_space<vmem>>, vector<16xf32>,
      %gather3A = tpu.vector_load_idx %arg8[%broadcast_in_dim3A_41] : memref<1280xf32, #tpu.memory_space<vmem>>[vector<16xi32>], vector<16xf32>,
      %swap3A_47 = arith.constant 32 : index
      %swap3A_48 = tpu.vector_load %arg13[%swap3A_47] {strides = array<i32>} : memref<256xf32, #tpu.memory_space<vmem>>, vector<16xf32>,
      tpu.vector_store %arg13[%swap3A_47], %gather3A {strides = array<i32>} : memref<256xf32, #tpu.memory_space<vmem>>, vector<16xf32>,
      %gather3A_49 = tpu.vector_load_idx %arg9[%broadcast_in_dim3A_41] : memref<1280xf32, #tpu.memory_space<vmem>>[vector<16xi32>], vector<16xf32>,
      %swap3A_50 = arith.constant 48 : index
      %swap3A_51 = tpu.vector_load %arg13[%swap3A_50] {strides = array<i32>} : memref<256xf32, #tpu.memory_space<vmem>>, vector<16xf32>,
      tpu.vector_store %arg13[%swap3A_50], %gather3A_49 {strides = array<i32>} : memref<256xf32, #tpu.memory_space<vmem>>, vector<16xf32>,
      %gather3A_52 = tpu.vector_load_idx %arg10[%broadcast_in_dim3A_41] : memref<1280xf32, #tpu.memory_space<vmem>>[vector<16xi32>], vector<16xf32>,
      %swap3A_53 = arith.constant 64 : index
      %swap3A_54 = tpu.vector_load %arg13[%swap3A_53] {strides = array<i32>} : memref<256xf32, #tpu.memory_space<vmem>>, vector<16xf32>,
      tpu.vector_store %arg13[%swap3A_53], %gather3A_52 {strides = array<i32>} : memref<256xf32, #tpu.memory_space<vmem>>, vector<16xf32>,
      %gather3A_55 = tpu.vector_load_idx %arg11[%broadcast_in_dim3A_41] : memref<1280xf32, #tpu.memory_space<vmem>>[vector<16xi32>], vector<16xf32>,
      %swap3A_56 = arith.constant 80 : index
      %swap3A_57 = tpu.vector_load %arg13[%swap3A_56] {strides = array<i32>} : memref<256xf32, #tpu.memory_space<vmem>>, vector<16xf32>,
      tpu.vector_store %arg13[%swap3A_56], %gather3A_55 {strides = array<i32>} : memref<256xf32, #tpu.memory_space<vmem>>, vector<16xf32>,
      %broadcast_in_dim3A_58 = vector.broadcast %reduce_min3A_40 : i32 to vector<16xi32>
      %broadcast_in_dim3A_59 = vector.broadcast %reduce_max3A_27 : f32 to vector<16xf32>
      %swap3A_60 = arith.constant 128 : index
      %swap3A_61 = tpu.vector_load %arg13[%swap3A_60] {strides = array<i32>} : memref<256xf32, #tpu.memory_space<vmem>>, vector<16xf32>,
      tpu.vector_store %arg13[%swap3A_60], %broadcast_in_dim3A_59 {strides = array<i32>} : memref<256xf32, #tpu.memory_space<vmem>>, vector<16xf32>,
      %add3A_62 = arith.addi %reduce_min3A_40, %mul3A_2 : i32
      %broadcast_in_dim3A_63 = vector.broadcast %add3A_62 : i32 to vector<16xi32>
      %bitcast3A_64 = vector.bitcast %broadcast_in_dim3A_63 : vector<16xi32> to vector<16xf32>
      %swap3A_65 = arith.constant 144 : index
      %swap3A_66 = tpu.vector_load %arg13[%swap3A_65] {strides = array<i32>} : memref<256xf32, #tpu.memory_space<vmem>>, vector<16xf32>,
      tpu.vector_store %arg13[%swap3A_65], %bitcast3A_64 {strides = array<i32>} : memref<256xf32, #tpu.memory_space<vmem>>, vector<16xf32>,
      %gather3A_67 = tpu.vector_load_idx %arg8[%broadcast_in_dim3A_58] : memref<1280xf32, #tpu.memory_space<vmem>>[vector<16xi32>], vector<16xf32>,
      %swap3A_68 = arith.constant 160 : index
      %swap3A_69 = tpu.vector_load %arg13[%swap3A_68] {strides = array<i32>} : memref<256xf32, #tpu.memory_space<vmem>>, vector<16xf32>,
      tpu.vector_store %arg13[%swap3A_68], %gather3A_67 {strides = array<i32>} : memref<256xf32, #tpu.memory_space<vmem>>, vector<16xf32>,
      %gather3A_70 = tpu.vector_load_idx %arg9[%broadcast_in_dim3A_58] : memref<1280xf32, #tpu.memory_space<vmem>>[vector<16xi32>], vector<16xf32>,
      %swap3A_71 = arith.constant 176 : index
      %swap3A_72 = tpu.vector_load %arg13[%swap3A_71] {strides = array<i32>} : memref<256xf32, #tpu.memory_space<vmem>>, vector<16xf32>,
      tpu.vector_store %arg13[%swap3A_71], %gather3A_70 {strides = array<i32>} : memref<256xf32, #tpu.memory_space<vmem>>, vector<16xf32>,
      %gather3A_73 = tpu.vector_load_idx %arg10[%broadcast_in_dim3A_58] : memref<1280xf32, #tpu.memory_space<vmem>>[vector<16xi32>], vector<16xf32>,
      %swap3A_74 = arith.constant 192 : index
      %swap3A_75 = tpu.vector_load %arg13[%swap3A_74] {strides = array<i32>} : memref<256xf32, #tpu.memory_space<vmem>>, vector<16xf32>,
      tpu.vector_store %arg13[%swap3A_74], %gather3A_73 {strides = array<i32>} : memref<256xf32, #tpu.memory_space<vmem>>, vector<16xf32>,
      %gather3A_76 = tpu.vector_load_idx %arg11[%broadcast_in_dim3A_58] : memref<1280xf32, #tpu.memory_space<vmem>>[vector<16xi32>], vector<16xf32>,
      %swap3A_77 = arith.constant 208 : index
      %swap3A_78 = tpu.vector_load %arg13[%swap3A_77] {strides = array<i32>} : memref<256xf32, #tpu.memory_space<vmem>>, vector<16xf32>,
      tpu.vector_store %arg13[%swap3A_77], %gather3A_76 {strides = array<i32>} : memref<256xf32, #tpu.memory_space<vmem>>, vector<16xf32>,
      %while3A = arith.constant 0 : i32
      %while3A_79 = arith.constant 0 : i32
      %while3A_80:2 = scf.while (%while3A_86 = %while3A, %while3A_87 = %while3A_79) : (i32, i32) -> (i32, i32) {
        %lt3A = arith.constant 300 : i32
        %lt3A_88 = arith.cmpi slt, %while3A_86, %lt3A : i32
        scf.condition(%lt3A_88) %while3A_86, %while3A_87 : i32, i32
      } do {
      ^bb0(%while3A_86: i32, %while3A_87: i32):
        %and3A = arith.constant 1 : i32
        %and3A_88 = arith.andi %while3A_87, %and3A : i32
        "tpu.region"() ({
          %run_scoped3A = tpu.sem_alloc : memref<!tpu.dma_semaphore, #tpu.memory_space<semaphore_mem>>
          %dma_start3A = arith.constant 0 : i32
          %dma_start3A_340 = tpu.memref_slice %arg16[%and3A_88, %arg1, %dma_start3A] : memref<2x16x256xf32, #tpu.memory_space<vmem_shared>> -> memref<1x1x256xf32, #tpu.memory_space<vmem_shared>>
          %dma_start3A_341 = tpu.memref_squeeze %dma_start3A_340 : memref<1x1x256xf32, #tpu.memory_space<vmem_shared>> -> memref<256xf32, #tpu.memory_space<vmem_shared>>
          %dma_start3A_342 = arith.constant 0 : i32
          %dma_start3A_343 = tpu.memref_slice %arg16[%and3A_88, %arg1, %dma_start3A_342] : memref<2x16x256xf32, #tpu.memory_space<vmem_shared>> -> memref<1x1x256xf32, #tpu.memory_space<vmem_shared>>
          %dma_start3A_344 = tpu.memref_squeeze %dma_start3A_343 : memref<1x1x256xf32, #tpu.memory_space<vmem_shared>> -> memref<256xf32, #tpu.memory_space<vmem_shared>>
          tpu.enqueue_dma source(%arg13 : memref<256xf32, #tpu.memory_space<vmem>>) target(%dma_start3A_344 : memref<256xf32, #tpu.memory_space<vmem_shared>>) target_semaphore(%run_scoped3A : memref<!tpu.dma_semaphore, #tpu.memory_space<semaphore_mem>>)
          %dma_wait3A = arith.constant 0 : i32
          %dma_wait3A_345 = tpu.memref_slice %arg16[%and3A_88, %arg1, %dma_wait3A] : memref<2x16x256xf32, #tpu.memory_space<vmem_shared>> -> memref<1x1x256xf32, #tpu.memory_space<vmem_shared>>
          %dma_wait3A_346 = tpu.memref_squeeze %dma_wait3A_345 : memref<1x1x256xf32, #tpu.memory_space<vmem_shared>> -> memref<256xf32, #tpu.memory_space<vmem_shared>>
          %dma_wait3A_347 = arith.constant 0 : i32
          %dma_wait3A_348 = tpu.memref_slice %arg16[%and3A_88, %arg1, %dma_wait3A_347] : memref<2x16x256xf32, #tpu.memory_space<vmem_shared>> -> memref<1x1x256xf32, #tpu.memory_space<vmem_shared>>
          %dma_wait3A_349 = tpu.memref_squeeze %dma_wait3A_348 : memref<1x1x256xf32, #tpu.memory_space<vmem_shared>> -> memref<256xf32, #tpu.memory_space<vmem_shared>>
          tpu.wait_dma2 semaphore(%run_scoped3A : memref<!tpu.dma_semaphore, #tpu.memory_space<semaphore_mem>>) src(%arg13 : memref<256xf32, #tpu.memory_space<vmem>>) dst(%dma_wait3A_349 : memref<256xf32, #tpu.memory_space<vmem_shared>>)
          tpu.yield
        }) : () -> ()
        %barrier3A = arith.constant 0 : index
        tpu.barrier barrier_id(%barrier3A)
        "tpu.region"() ({
          %run_scoped3A = tpu.sem_alloc : memref<!tpu.dma_semaphore, #tpu.memory_space<semaphore_mem>>
          %dma_start3A = arith.constant 0 : i32
          %dma_start3A_340 = arith.constant 0 : i32
          %dma_start3A_341 = tpu.memref_slice %arg16[%and3A_88, %dma_start3A, %dma_start3A_340] : memref<2x16x256xf32, #tpu.memory_space<vmem_shared>> -> memref<1x16x256xf32, #tpu.memory_space<vmem_shared>>
          %dma_start3A_342 = tpu.memref_squeeze %dma_start3A_341 : memref<1x16x256xf32, #tpu.memory_space<vmem_shared>> -> memref<16x256xf32, #tpu.memory_space<vmem_shared>>
          %dma_start3A_343 = arith.constant 0 : i32
          %dma_start3A_344 = arith.constant 0 : i32
          %dma_start3A_345 = tpu.memref_slice %arg16[%and3A_88, %dma_start3A_343, %dma_start3A_344] : memref<2x16x256xf32, #tpu.memory_space<vmem_shared>> -> memref<1x16x256xf32, #tpu.memory_space<vmem_shared>>
          %dma_start3A_346 = tpu.memref_squeeze %dma_start3A_345 : memref<1x16x256xf32, #tpu.memory_space<vmem_shared>> -> memref<16x256xf32, #tpu.memory_space<vmem_shared>>
          tpu.enqueue_dma source(%dma_start3A_346 : memref<16x256xf32, #tpu.memory_space<vmem_shared>>) target(%arg14 : memref<16x256xf32, #tpu.memory_space<vmem>>) target_semaphore(%run_scoped3A : memref<!tpu.dma_semaphore, #tpu.memory_space<semaphore_mem>>)
          %dma_wait3A = arith.constant 0 : i32
          %dma_wait3A_347 = arith.constant 0 : i32
          %dma_wait3A_348 = tpu.memref_slice %arg16[%and3A_88, %dma_wait3A, %dma_wait3A_347] : memref<2x16x256xf32, #tpu.memory_space<vmem_shared>> -> memref<1x16x256xf32, #tpu.memory_space<vmem_shared>>
          %dma_wait3A_349 = tpu.memref_squeeze %dma_wait3A_348 : memref<1x16x256xf32, #tpu.memory_space<vmem_shared>> -> memref<16x256xf32, #tpu.memory_space<vmem_shared>>
          %dma_wait3A_350 = arith.constant 0 : i32
          %dma_wait3A_351 = arith.constant 0 : i32
          %dma_wait3A_352 = tpu.memref_slice %arg16[%and3A_88, %dma_wait3A_350, %dma_wait3A_351] : memref<2x16x256xf32, #tpu.memory_space<vmem_shared>> -> memref<1x16x256xf32, #tpu.memory_space<vmem_shared>>
          %dma_wait3A_353 = tpu.memref_squeeze %dma_wait3A_352 : memref<1x16x256xf32, #tpu.memory_space<vmem_shared>> -> memref<16x256xf32, #tpu.memory_space<vmem_shared>>
          tpu.wait_dma2 semaphore(%run_scoped3A : memref<!tpu.dma_semaphore, #tpu.memory_space<semaphore_mem>>) src(%dma_wait3A_353 : memref<16x256xf32, #tpu.memory_space<vmem_shared>>) dst(%arg14 : memref<16x256xf32, #tpu.memory_space<vmem>>)
          tpu.yield
        }) : () -> ()
        %broadcast_in_dim3A_89 = arith.constant 0 : i32
        %broadcast_in_dim3A_90 = vector.broadcast %broadcast_in_dim3A_89 : i32 to vector<16xi32>
        %gather3A_91 = tpu.vector_load_idx %arg14[%iota3A, %broadcast_in_dim3A_90] : memref<16x256xf32, #tpu.memory_space<vmem>>[vector<16xi32>, vector<16xi32>], vector<16xf32>,
        %broadcast_in_dim3A_92 = arith.constant 16 : i32
        %broadcast_in_dim3A_93 = vector.broadcast %broadcast_in_dim3A_92 : i32 to vector<16xi32>
        %gather3A_94 = tpu.vector_load_idx %arg14[%iota3A, %broadcast_in_dim3A_93] : memref<16x256xf32, #tpu.memory_space<vmem>>[vector<16xi32>, vector<16xi32>], vector<16xf32>,
        %bitcast3A_95 = vector.bitcast %gather3A_94 : vector<16xf32> to vector<16xi32>
        %broadcast_in_dim3A_96 = arith.constant 128 : i32
        %broadcast_in_dim3A_97 = vector.broadcast %broadcast_in_dim3A_96 : i32 to vector<16xi32>
        %gather3A_98 = tpu.vector_load_idx %arg14[%iota3A, %broadcast_in_dim3A_97] : memref<16x256xf32, #tpu.memory_space<vmem>>[vector<16xi32>, vector<16xi32>], vector<16xf32>,
        %broadcast_in_dim3A_99 = arith.constant 144 : i32
        %broadcast_in_dim3A_100 = vector.broadcast %broadcast_in_dim3A_99 : i32 to vector<16xi32>
        %gather3A_101 = tpu.vector_load_idx %arg14[%iota3A, %broadcast_in_dim3A_100] : memref<16x256xf32, #tpu.memory_space<vmem>>[vector<16xi32>, vector<16xi32>], vector<16xf32>,
        %bitcast3A_102 = vector.bitcast %gather3A_101 : vector<16xf32> to vector<16xi32>
        %reduce_max3A_103 = arith.constant true
        %reduce_max3A_104 = vector.broadcast %reduce_max3A_103 : i1 to vector<16xi1>
        %reduce_max3A_105 = tpu.scan <max>, %gather3A_91 masked %reduce_max3A_104 : vector<16xf32>, vector<16xi1> -> vector<16xf32>
        %reduce_max3A_106 = vector.extract %reduce_max3A_105[15] : f32 from vector<16xf32>
        %eq3A_107 = vector.broadcast %reduce_max3A_106 : f32 to vector<16xf32>
        %eq3A_108 = arith.cmpf oeq, %gather3A_91, %eq3A_107 : vector<16xf32>
        %jit3A_109 = arith.constant 1073741824 : i32
        %broadcast_in_dim3A_110 = vector.broadcast %jit3A_109 : i32 to vector<16xi32>
        %select_n3A_111 = arith.select %eq3A_108, %bitcast3A_95, %broadcast_in_dim3A_110 : vector<16xi1>, vector<16xi32>
        %reduce_min3A_112 = arith.constant true
        %reduce_min3A_113 = vector.broadcast %reduce_min3A_112 : i1 to vector<16xi1>
        %reduce_min3A_114 = arith.constant -2147483648 : i32
        %reduce_min3A_115 = vector.broadcast %reduce_min3A_114 : i32 to vector<16xi32>
        %reduce_min3A_116 = arith.xori %select_n3A_111, %reduce_min3A_115 : vector<16xi32>
        %reduce_min3A_117 = tpu.scan <min>, %reduce_min3A_116 masked %reduce_min3A_113 : vector<16xi32>, vector<16xi1> -> vector<16xi32>
        %reduce_min3A_118 = arith.xori %reduce_min3A_117, %reduce_min3A_115 : vector<16xi32>
        %reduce_min3A_119 = vector.extract %reduce_min3A_118[15] : i32 from vector<16xi32>
        %eq3A_120 = vector.broadcast %reduce_min3A_119 : i32 to vector<16xi32>
        %eq3A_121 = arith.cmpi eq, %bitcast3A_95, %eq3A_120 : vector<16xi32>
        %all_reduce_ffs3A = tpu.all_reduce %eq3A_121 {dim = 0 : i64, kind = #tpu.reduction_kind<find_first_set>} : vector<16xi1> -> vector<16xi32>
        %broadcast_in_dim3A_122 = arith.constant 0 : i32
        %broadcast_in_dim3A_123 = vector.broadcast %broadcast_in_dim3A_122 : i32 to vector<16xi32>
        %gather3A_124 = tpu.vector_load_idx %arg14[%all_reduce_ffs3A, %broadcast_in_dim3A_123] : memref<16x256xf32, #tpu.memory_space<vmem>>[vector<16xi32>, vector<16xi32>], vector<16xf32>,
        %broadcast_in_dim3A_125 = arith.constant 32 : i32
        %broadcast_in_dim3A_126 = vector.broadcast %broadcast_in_dim3A_125 : i32 to vector<16xi32>
        %gather3A_127 = tpu.vector_load_idx %arg14[%all_reduce_ffs3A, %broadcast_in_dim3A_126] : memref<16x256xf32, #tpu.memory_space<vmem>>[vector<16xi32>, vector<16xi32>], vector<16xf32>,
        %broadcast_in_dim3A_128 = arith.constant 48 : i32
        %broadcast_in_dim3A_129 = vector.broadcast %broadcast_in_dim3A_128 : i32 to vector<16xi32>
        %gather3A_130 = tpu.vector_load_idx %arg14[%all_reduce_ffs3A, %broadcast_in_dim3A_129] : memref<16x256xf32, #tpu.memory_space<vmem>>[vector<16xi32>, vector<16xi32>], vector<16xf32>,
        %broadcast_in_dim3A_131 = arith.constant 64 : i32
        %broadcast_in_dim3A_132 = vector.broadcast %broadcast_in_dim3A_131 : i32 to vector<16xi32>
        %gather3A_133 = tpu.vector_load_idx %arg14[%all_reduce_ffs3A, %broadcast_in_dim3A_132] : memref<16x256xf32, #tpu.memory_space<vmem>>[vector<16xi32>, vector<16xi32>], vector<16xf32>,
        %broadcast_in_dim3A_134 = arith.constant 80 : i32
        %broadcast_in_dim3A_135 = vector.broadcast %broadcast_in_dim3A_134 : i32 to vector<16xi32>
        %gather3A_136 = tpu.vector_load_idx %arg14[%all_reduce_ffs3A, %broadcast_in_dim3A_135] : memref<16x256xf32, #tpu.memory_space<vmem>>[vector<16xi32>, vector<16xi32>], vector<16xf32>,
        %select_n3A_137 = arith.select %eq3A_121, %gather3A_98, %gather3A_91 : vector<16xi1>, vector<16xf32>
        %select_n3A_138 = arith.select %eq3A_121, %bitcast3A_102, %bitcast3A_95 : vector<16xi1>, vector<16xi32>
        %jit3A_139 = arith.constant 128 : i32
        %jit3A_140 = arith.constant 0 : i32
        %broadcast_in_dim3A_141 = vector.broadcast %jit3A_139 : i32 to vector<16xi32>
        %broadcast_in_dim3A_142 = vector.broadcast %jit3A_140 : i32 to vector<16xi32>
        %select_n3A_143 = arith.select %eq3A_121, %broadcast_in_dim3A_141, %broadcast_in_dim3A_142 : vector<16xi1>, vector<16xi32>
        %reduce_max3A_144 = arith.constant true
        %reduce_max3A_145 = vector.broadcast %reduce_max3A_144 : i1 to vector<16xi1>
        %reduce_max3A_146 = tpu.scan <max>, %select_n3A_137 masked %reduce_max3A_145 : vector<16xf32>, vector<16xi1> -> vector<16xf32>
        %reduce_max3A_147 = vector.extract %reduce_max3A_146[15] : f32 from vector<16xf32>
        %eq3A_148 = vector.broadcast %reduce_max3A_147 : f32 to vector<16xf32>
        %eq3A_149 = arith.cmpf oeq, %select_n3A_137, %eq3A_148 : vector<16xf32>
        %jit3A_150 = arith.constant 1073741824 : i32
        %broadcast_in_dim3A_151 = vector.broadcast %jit3A_150 : i32 to vector<16xi32>
        %select_n3A_152 = arith.select %eq3A_149, %select_n3A_138, %broadcast_in_dim3A_151 : vector<16xi1>, vector<16xi32>
        %reduce_min3A_153 = arith.constant true
        %reduce_min3A_154 = vector.broadcast %reduce_min3A_153 : i1 to vector<16xi1>
        %reduce_min3A_155 = arith.constant -2147483648 : i32
        %reduce_min3A_156 = vector.broadcast %reduce_min3A_155 : i32 to vector<16xi32>
        %reduce_min3A_157 = arith.xori %select_n3A_152, %reduce_min3A_156 : vector<16xi32>
        %reduce_min3A_158 = tpu.scan <min>, %reduce_min3A_157 masked %reduce_min3A_154 : vector<16xi32>, vector<16xi1> -> vector<16xi32>
        %reduce_min3A_159 = arith.xori %reduce_min3A_158, %reduce_min3A_156 : vector<16xi32>
        %reduce_min3A_160 = vector.extract %reduce_min3A_159[15] : i32 from vector<16xi32>
        %eq3A_161 = vector.broadcast %reduce_min3A_160 : i32 to vector<16xi32>
        %eq3A_162 = arith.cmpi eq, %select_n3A_138, %eq3A_161 : vector<16xi32>
        %all_reduce_ffs3A_163 = tpu.all_reduce %eq3A_162 {dim = 0 : i64, kind = #tpu.reduction_kind<find_first_set>} : vector<16xi1> -> vector<16xi32>
        %jit3A_164 = arith.constant 1073741824 : i32
        %broadcast_in_dim3A_165 = vector.broadcast %jit3A_164 : i32 to vector<16xi32>
        %select_n3A_166 = arith.select %eq3A_162, %select_n3A_143, %broadcast_in_dim3A_165 : vector<16xi1>, vector<16xi32>
        %reduce_min3A_167 = arith.constant true
        %reduce_min3A_168 = vector.broadcast %reduce_min3A_167 : i1 to vector<16xi1>
        %reduce_min3A_169 = arith.constant -2147483648 : i32
        %reduce_min3A_170 = vector.broadcast %reduce_min3A_169 : i32 to vector<16xi32>
        %reduce_min3A_171 = arith.xori %select_n3A_166, %reduce_min3A_170 : vector<16xi32>
        %reduce_min3A_172 = tpu.scan <min>, %reduce_min3A_171 masked %reduce_min3A_168 : vector<16xi32>, vector<16xi1> -> vector<16xi32>
        %reduce_min3A_173 = arith.xori %reduce_min3A_172, %reduce_min3A_170 : vector<16xi32>
        %reduce_min3A_174 = vector.extract %reduce_min3A_173[15] : i32 from vector<16xi32>
        %broadcast_in_dim3A_175 = vector.broadcast %reduce_min3A_174 : i32 to vector<16xi32>
        %gather3A_176 = tpu.vector_load_idx %arg14[%all_reduce_ffs3A_163, %broadcast_in_dim3A_175] : memref<16x256xf32, #tpu.memory_space<vmem>>[vector<16xi32>, vector<16xi32>], vector<16xf32>,
        %add3A_177 = arith.constant 32 : i32
        %add3A_178 = vector.broadcast %add3A_177 : i32 to vector<16xi32>
        %add3A_179 = arith.addi %broadcast_in_dim3A_175, %add3A_178 : vector<16xi32>
        %gather3A_180 = tpu.vector_load_idx %arg14[%all_reduce_ffs3A_163, %add3A_179] : memref<16x256xf32, #tpu.memory_space<vmem>>[vector<16xi32>, vector<16xi32>], vector<16xf32>,
        %add3A_181 = arith.constant 48 : i32
        %add3A_182 = vector.broadcast %add3A_181 : i32 to vector<16xi32>
        %add3A_183 = arith.addi %broadcast_in_dim3A_175, %add3A_182 : vector<16xi32>
        %gather3A_184 = tpu.vector_load_idx %arg14[%all_reduce_ffs3A_163, %add3A_183] : memref<16x256xf32, #tpu.memory_space<vmem>>[vector<16xi32>, vector<16xi32>], vector<16xf32>,
        %add3A_185 = arith.constant 64 : i32
        %add3A_186 = vector.broadcast %add3A_185 : i32 to vector<16xi32>
        %add3A_187 = arith.addi %broadcast_in_dim3A_175, %add3A_186 : vector<16xi32>
        %gather3A_188 = tpu.vector_load_idx %arg14[%all_reduce_ffs3A_163, %add3A_187] : memref<16x256xf32, #tpu.memory_space<vmem>>[vector<16xi32>, vector<16xi32>], vector<16xf32>,
        %add3A_189 = arith.constant 80 : i32
        %add3A_190 = vector.broadcast %add3A_189 : i32 to vector<16xi32>
        %add3A_191 = arith.addi %broadcast_in_dim3A_175, %add3A_190 : vector<16xi32>
        %gather3A_192 = tpu.vector_load_idx %arg14[%all_reduce_ffs3A_163, %add3A_191] : memref<16x256xf32, #tpu.memory_space<vmem>>[vector<16xi32>, vector<16xi32>], vector<16xf32>,
        %sub3A = arith.subf %gather3A_133, %gather3A_127 : vector<16xf32>
        %sub3A_193 = arith.subf %gather3A_136, %gather3A_130 : vector<16xf32>
        %mul3A_194 = arith.mulf %sub3A, %sub3A_193 : vector<16xf32>
        %max3A = arith.maximumf %gather3A_127, %gather3A_180 : vector<16xf32>
        %max3A_195 = arith.maximumf %gather3A_130, %gather3A_184 : vector<16xf32>
        %min3A = arith.minimumf %gather3A_133, %gather3A_188 : vector<16xf32>
        %min3A_196 = arith.minimumf %gather3A_136, %gather3A_192 : vector<16xf32>
        %sub3A_197 = arith.subf %min3A, %max3A : vector<16xf32>
        %max3A_198 = arith.constant 0.000000e+00 : f32
        %max3A_199 = vector.broadcast %max3A_198 : f32 to vector<16xf32>
        %max3A_200 = arith.maximumf %sub3A_197, %max3A_199 : vector<16xf32>
        %sub3A_201 = arith.subf %min3A_196, %max3A_195 : vector<16xf32>
        %max3A_202 = arith.constant 0.000000e+00 : f32
        %max3A_203 = vector.broadcast %max3A_202 : f32 to vector<16xf32>
        %max3A_204 = arith.maximumf %sub3A_201, %max3A_203 : vector<16xf32>
        %mul3A_205 = arith.mulf %max3A_200, %max3A_204 : vector<16xf32>
        %sub3A_206 = arith.subf %gather3A_188, %gather3A_180 : vector<16xf32>
        %sub3A_207 = arith.subf %gather3A_192, %gather3A_184 : vector<16xf32>
        %mul3A_208 = arith.mulf %sub3A_206, %sub3A_207 : vector<16xf32>
        %add3A_209 = arith.addf %mul3A_194, %mul3A_208 : vector<16xf32>
        %sub3A_210 = arith.subf %add3A_209, %mul3A_205 : vector<16xf32>
        %add3A_211 = arith.constant 9.99999971E-10 : f32
        %add3A_212 = vector.broadcast %add3A_211 : f32 to vector<16xf32>
        %add3A_213 = arith.addf %sub3A_210, %add3A_212 : vector<16xf32>
        %div3A = arith.divf %mul3A_205, %add3A_213 : vector<16xf32>
        %gt3A = arith.constant 4.500000e-01 : f32
        %gt3A_214 = vector.broadcast %gt3A : f32 to vector<16xf32>
        %gt3A_215 = arith.cmpf ogt, %div3A, %gt3A_214 : vector<16xf32>
        %jit3A_216 = arith.constant 1 : i32
        %jit3A_217 = arith.constant 0 : i32
        %broadcast_in_dim3A_218 = vector.broadcast %jit3A_216 : i32 to vector<16xi32>
        %broadcast_in_dim3A_219 = vector.broadcast %jit3A_217 : i32 to vector<16xi32>
        %select_n3A_220 = arith.select %gt3A_215, %broadcast_in_dim3A_218, %broadcast_in_dim3A_219 : vector<16xi1>, vector<16xi32>
        %reduce_max3A_221 = arith.constant true
        %reduce_max3A_222 = vector.broadcast %reduce_max3A_221 : i1 to vector<16xi1>
        %reduce_max3A_223 = arith.constant -2147483648 : i32
        %reduce_max3A_224 = vector.broadcast %reduce_max3A_223 : i32 to vector<16xi32>
        %reduce_max3A_225 = arith.xori %select_n3A_220, %reduce_max3A_224 : vector<16xi32>
        %reduce_max3A_226 = tpu.scan <max>, %reduce_max3A_225 masked %reduce_max3A_222 : vector<16xi32>, vector<16xi1> -> vector<16xi32>
        %reduce_max3A_227 = arith.xori %reduce_max3A_226, %reduce_max3A_224 : vector<16xi32>
        %reduce_max3A_228 = vector.extract %reduce_max3A_227[15] : i32 from vector<16xi32>
        %eq3A_229 = arith.constant 0 : i32
        %eq3A_230 = arith.cmpi eq, %reduce_max3A_228, %eq3A_229 : i32
        %eq3A_231 = arith.constant 0 : i32
        %eq3A_232 = arith.cmpi eq, %arg1, %eq3A_231 : i32
        %convert_element_type3A_233 = arith.extui %eq3A_232 : i1 to i32
        %cond3A_234 = arith.constant 0 : i32
        %cond3A_235 = arith.cmpi ne, %convert_element_type3A_233, %cond3A_234 : i32
        scf.if %cond3A_235 {
          %broadcast_in_dim3A_340 = arith.constant 0xFF800000 : f32
          %broadcast_in_dim3A_341 = vector.broadcast %broadcast_in_dim3A_340 : f32 to vector<16xf32>
          %gt3A_342 = arith.cmpf ogt, %gather3A_124, %broadcast_in_dim3A_341 : vector<16xf32>
          %eq3A_343 = arith.constant 0 : i32
          %eq3A_344 = vector.broadcast %eq3A_343 : i32 to vector<16xi32>
          %eq3A_345 = arith.cmpi eq, %iota3A, %eq3A_344 : vector<16xi32>
          %eq3A_346 = arith.constant 1 : i32
          %eq3A_347 = vector.broadcast %eq3A_346 : i32 to vector<16xi32>
          %eq3A_348 = arith.cmpi eq, %iota3A, %eq3A_347 : vector<16xi32>
          %eq3A_349 = arith.constant 2 : i32
          %eq3A_350 = vector.broadcast %eq3A_349 : i32 to vector<16xi32>
          %eq3A_351 = arith.cmpi eq, %iota3A, %eq3A_350 : vector<16xi32>
          %eq3A_352 = arith.constant 3 : i32
          %eq3A_353 = vector.broadcast %eq3A_352 : i32 to vector<16xi32>
          %eq3A_354 = arith.cmpi eq, %iota3A, %eq3A_353 : vector<16xi32>
          %eq3A_355 = arith.constant 4 : i32
          %eq3A_356 = vector.broadcast %eq3A_355 : i32 to vector<16xi32>
          %eq3A_357 = arith.cmpi eq, %iota3A, %eq3A_356 : vector<16xi32>
          %broadcast_in_dim3A_358 = arith.constant 0.000000e+00 : f32
          %broadcast_in_dim3A_359 = vector.broadcast %broadcast_in_dim3A_358 : f32 to vector<16xf32>
          %select_n3A_360 = arith.select %eq3A_357, %gather3A_124, %broadcast_in_dim3A_359 : vector<16xi1>, vector<16xf32>
          %select_n3A_361 = arith.select %eq3A_354, %gather3A_136, %select_n3A_360 : vector<16xi1>, vector<16xf32>
          %select_n3A_362 = arith.select %eq3A_351, %gather3A_133, %select_n3A_361 : vector<16xi1>, vector<16xf32>
          %select_n3A_363 = arith.select %eq3A_348, %gather3A_130, %select_n3A_362 : vector<16xi1>, vector<16xf32>
          %select_n3A_364 = arith.select %eq3A_345, %gather3A_127, %select_n3A_363 : vector<16xi1>, vector<16xf32>
          %broadcast_in_dim3A_365 = arith.constant 0.000000e+00 : f32
          %broadcast_in_dim3A_366 = vector.broadcast %broadcast_in_dim3A_365 : f32 to vector<16xf32>
          %select_n3A_367 = arith.select %gt3A_342, %select_n3A_364, %broadcast_in_dim3A_366 : vector<16xi1>, vector<16xf32>
          %mul3A_368 = arith.constant 16 : i32
          %mul3A_369 = arith.muli %while3A_86, %mul3A_368 : i32
          %swap3A_370 = arith.index_cast %mul3A_369 : i32 to index
          %swap3A_371 = tpu.vector_load %arg15[%swap3A_370] {strides = array<i32>} : memref<4864xf32, #tpu.memory_space<vmem>>, vector<16xf32>,
          tpu.vector_store %arg15[%swap3A_370], %select_n3A_367 {strides = array<i32>} : memref<4864xf32, #tpu.memory_space<vmem>>, vector<16xf32>,
          %convert_element_type3A_372 = arith.extui %eq3A_230 : i1 to i32
          %cond3A_373 = arith.constant 0 : i32
          %cond3A_374 = arith.cmpi ne, %convert_element_type3A_372, %cond3A_373 : i32
          scf.if %cond3A_374 {
            %broadcast_in_dim3A_375 = arith.constant 0xFF800000 : f32
            %broadcast_in_dim3A_376 = vector.broadcast %broadcast_in_dim3A_375 : f32 to vector<16xf32>
            %gt3A_377 = arith.cmpf ogt, %gather3A_176, %broadcast_in_dim3A_376 : vector<16xf32>
            %eq3A_378 = arith.constant 0 : i32
            %eq3A_379 = vector.broadcast %eq3A_378 : i32 to vector<16xi32>
            %eq3A_380 = arith.cmpi eq, %iota3A, %eq3A_379 : vector<16xi32>
            %eq3A_381 = arith.constant 1 : i32
            %eq3A_382 = vector.broadcast %eq3A_381 : i32 to vector<16xi32>
            %eq3A_383 = arith.cmpi eq, %iota3A, %eq3A_382 : vector<16xi32>
            %eq3A_384 = arith.constant 2 : i32
            %eq3A_385 = vector.broadcast %eq3A_384 : i32 to vector<16xi32>
            %eq3A_386 = arith.cmpi eq, %iota3A, %eq3A_385 : vector<16xi32>
            %eq3A_387 = arith.constant 3 : i32
            %eq3A_388 = vector.broadcast %eq3A_387 : i32 to vector<16xi32>
            %eq3A_389 = arith.cmpi eq, %iota3A, %eq3A_388 : vector<16xi32>
            %eq3A_390 = arith.constant 4 : i32
            %eq3A_391 = vector.broadcast %eq3A_390 : i32 to vector<16xi32>
            %eq3A_392 = arith.cmpi eq, %iota3A, %eq3A_391 : vector<16xi32>
            %broadcast_in_dim3A_393 = arith.constant 0.000000e+00 : f32
            %broadcast_in_dim3A_394 = vector.broadcast %broadcast_in_dim3A_393 : f32 to vector<16xf32>
            %select_n3A_395 = arith.select %eq3A_392, %gather3A_176, %broadcast_in_dim3A_394 : vector<16xi1>, vector<16xf32>
            %select_n3A_396 = arith.select %eq3A_389, %gather3A_192, %select_n3A_395 : vector<16xi1>, vector<16xf32>
            %select_n3A_397 = arith.select %eq3A_386, %gather3A_188, %select_n3A_396 : vector<16xi1>, vector<16xf32>
            %select_n3A_398 = arith.select %eq3A_383, %gather3A_184, %select_n3A_397 : vector<16xi1>, vector<16xf32>
            %select_n3A_399 = arith.select %eq3A_380, %gather3A_180, %select_n3A_398 : vector<16xi1>, vector<16xf32>
            %broadcast_in_dim3A_400 = arith.constant 0.000000e+00 : f32
            %broadcast_in_dim3A_401 = vector.broadcast %broadcast_in_dim3A_400 : f32 to vector<16xf32>
            %select_n3A_402 = arith.select %gt3A_377, %select_n3A_399, %broadcast_in_dim3A_401 : vector<16xi1>, vector<16xf32>
            %add3A_403 = arith.constant 1 : i32
            %add3A_404 = arith.addi %while3A_86, %add3A_403 : i32
            %mul3A_405 = arith.constant 16 : i32
            %mul3A_406 = arith.muli %add3A_404, %mul3A_405 : i32
            %swap3A_407 = arith.index_cast %mul3A_406 : i32 to index
            %swap3A_408 = tpu.vector_load %arg15[%swap3A_407] {strides = array<i32>} : memref<4864xf32, #tpu.memory_space<vmem>>, vector<16xf32>,
            tpu.vector_store %arg15[%swap3A_407], %select_n3A_402 {strides = array<i32>} : memref<4864xf32, #tpu.memory_space<vmem>>, vector<16xf32>,
          } else {
          }
        } else {
        }
        %broadcast_in_dim3A_236 = arith.constant 1.000000e+00 : f32
        %broadcast_in_dim3A_237 = vector.broadcast %broadcast_in_dim3A_236 : f32 to vector<16xf32>
        %broadcast_in_dim3A_238 = arith.constant 0.000000e+00 : f32
        %broadcast_in_dim3A_239 = vector.broadcast %broadcast_in_dim3A_238 : f32 to vector<16xf32>
        %select_n3A_240 = arith.select %eq3A_230, %broadcast_in_dim3A_237, %broadcast_in_dim3A_239 : vector<16xf32>
        %mul3A_241 = arith.mulf %gather3A_180, %select_n3A_240 : vector<16xf32>
        %mul3A_242 = arith.mulf %gather3A_184, %select_n3A_240 : vector<16xf32>
        %mul3A_243 = arith.mulf %gather3A_188, %select_n3A_240 : vector<16xf32>
        %mul3A_244 = arith.mulf %gather3A_192, %select_n3A_240 : vector<16xf32>
        %sub3A_245 = arith.subf %mul3A_243, %mul3A_241 : vector<16xf32>
        %sub3A_246 = arith.subf %mul3A_244, %mul3A_242 : vector<16xf32>
        %mul3A_247 = arith.mulf %sub3A_245, %sub3A_246 : vector<16xf32>
        %jit3A_248 = arith.constant -1 : i32
        %select_n3A_249 = arith.select %eq3A_230, %reduce_min3A_160, %jit3A_248 : i32
        %parallel_loop3A_250 = arith.constant 0 : i32
        %parallel_loop3A_251 = arith.constant 80 : i32
        %parallel_loop3A_252 = arith.constant 1 : i32
        %parallel_loop3A_253:4 = scf.for %parallel_loop3A_340 = %parallel_loop3A_250 to %parallel_loop3A_251 step %parallel_loop3A_252 iter_args(%parallel_loop3A_341 = %broadcast_in_dim3A_3, %parallel_loop3A_342 = %iota3A, %parallel_loop3A_343 = %broadcast_in_dim3A_3, %parallel_loop3A_344 = %iota3A) -> (vector<16xf32>, vector<16xi32>, vector<16xf32>, vector<16xi32>)  : i32 {
          %parallel_loop3A_345 = arith.constant 16 : i32
          %parallel_loop3A_346 = arith.muli %parallel_loop3A_340, %parallel_loop3A_345 : i32
          %parallel_loop3A_347 = arith.index_cast %parallel_loop3A_346 : i32 to index
          %parallel_loop3A_348 = tpu.vector_load %arg8[%parallel_loop3A_347] {strides = array<i32>} : memref<1280xf32, #tpu.memory_space<vmem>>, vector<16xf32>,
          %parallel_loop3A_349 = arith.index_cast %parallel_loop3A_346 : i32 to index
          %parallel_loop3A_350 = tpu.vector_load %arg9[%parallel_loop3A_349] {strides = array<i32>} : memref<1280xf32, #tpu.memory_space<vmem>>, vector<16xf32>,
          %parallel_loop3A_351 = arith.index_cast %parallel_loop3A_346 : i32 to index
          %parallel_loop3A_352 = tpu.vector_load %arg10[%parallel_loop3A_351] {strides = array<i32>} : memref<1280xf32, #tpu.memory_space<vmem>>, vector<16xf32>,
          %parallel_loop3A_353 = arith.index_cast %parallel_loop3A_346 : i32 to index
          %parallel_loop3A_354 = tpu.vector_load %arg11[%parallel_loop3A_353] {strides = array<i32>} : memref<1280xf32, #tpu.memory_space<vmem>>, vector<16xf32>,
          %parallel_loop3A_355 = arith.index_cast %parallel_loop3A_346 : i32 to index
          %parallel_loop3A_356 = tpu.vector_load %arg12[%parallel_loop3A_355] {strides = array<i32>} : memref<1280xf32, #tpu.memory_space<vmem>>, vector<16xf32>,
          %parallel_loop3A_357 = arith.subf %parallel_loop3A_352, %parallel_loop3A_348 : vector<16xf32>
          %parallel_loop3A_358 = arith.subf %parallel_loop3A_354, %parallel_loop3A_350 : vector<16xf32>
          %parallel_loop3A_359 = arith.mulf %parallel_loop3A_357, %parallel_loop3A_358 : vector<16xf32>
          %parallel_loop3A_360 = arith.maximumf %gather3A_127, %parallel_loop3A_348 : vector<16xf32>
          %parallel_loop3A_361 = arith.maximumf %gather3A_130, %parallel_loop3A_350 : vector<16xf32>
          %parallel_loop3A_362 = arith.minimumf %gather3A_133, %parallel_loop3A_352 : vector<16xf32>
          %parallel_loop3A_363 = arith.minimumf %gather3A_136, %parallel_loop3A_354 : vector<16xf32>
          %parallel_loop3A_364 = arith.subf %parallel_loop3A_362, %parallel_loop3A_360 : vector<16xf32>
          %parallel_loop3A_365 = arith.constant 0.000000e+00 : f32
          %parallel_loop3A_366 = vector.broadcast %parallel_loop3A_365 : f32 to vector<16xf32>
          %parallel_loop3A_367 = arith.maximumf %parallel_loop3A_364, %parallel_loop3A_366 : vector<16xf32>
          %parallel_loop3A_368 = arith.subf %parallel_loop3A_363, %parallel_loop3A_361 : vector<16xf32>
          %parallel_loop3A_369 = arith.constant 0.000000e+00 : f32
          %parallel_loop3A_370 = vector.broadcast %parallel_loop3A_369 : f32 to vector<16xf32>
          %parallel_loop3A_371 = arith.maximumf %parallel_loop3A_368, %parallel_loop3A_370 : vector<16xf32>
          %parallel_loop3A_372 = arith.mulf %parallel_loop3A_367, %parallel_loop3A_371 : vector<16xf32>
          %parallel_loop3A_373 = arith.addf %mul3A_194, %parallel_loop3A_359 : vector<16xf32>
          %parallel_loop3A_374 = arith.subf %parallel_loop3A_373, %parallel_loop3A_372 : vector<16xf32>
          %parallel_loop3A_375 = arith.constant 9.99999971E-10 : f32
          %parallel_loop3A_376 = vector.broadcast %parallel_loop3A_375 : f32 to vector<16xf32>
          %parallel_loop3A_377 = arith.addf %parallel_loop3A_374, %parallel_loop3A_376 : vector<16xf32>
          %parallel_loop3A_378 = arith.divf %parallel_loop3A_372, %parallel_loop3A_377 : vector<16xf32>
          %parallel_loop3A_379 = arith.maximumf %mul3A_241, %parallel_loop3A_348 : vector<16xf32>
          %parallel_loop3A_380 = arith.maximumf %mul3A_242, %parallel_loop3A_350 : vector<16xf32>
          %parallel_loop3A_381 = arith.minimumf %mul3A_243, %parallel_loop3A_352 : vector<16xf32>
          %parallel_loop3A_382 = arith.minimumf %mul3A_244, %parallel_loop3A_354 : vector<16xf32>
          %parallel_loop3A_383 = arith.subf %parallel_loop3A_381, %parallel_loop3A_379 : vector<16xf32>
          %parallel_loop3A_384 = arith.constant 0.000000e+00 : f32
          %parallel_loop3A_385 = vector.broadcast %parallel_loop3A_384 : f32 to vector<16xf32>
          %parallel_loop3A_386 = arith.maximumf %parallel_loop3A_383, %parallel_loop3A_385 : vector<16xf32>
          %parallel_loop3A_387 = arith.subf %parallel_loop3A_382, %parallel_loop3A_380 : vector<16xf32>
          %parallel_loop3A_388 = arith.constant 0.000000e+00 : f32
          %parallel_loop3A_389 = vector.broadcast %parallel_loop3A_388 : f32 to vector<16xf32>
          %parallel_loop3A_390 = arith.maximumf %parallel_loop3A_387, %parallel_loop3A_389 : vector<16xf32>
          %parallel_loop3A_391 = arith.mulf %parallel_loop3A_386, %parallel_loop3A_390 : vector<16xf32>
          %parallel_loop3A_392 = arith.addf %mul3A_247, %parallel_loop3A_359 : vector<16xf32>
          %parallel_loop3A_393 = arith.subf %parallel_loop3A_392, %parallel_loop3A_391 : vector<16xf32>
          %parallel_loop3A_394 = arith.constant 9.99999971E-10 : f32
          %parallel_loop3A_395 = vector.broadcast %parallel_loop3A_394 : f32 to vector<16xf32>
          %parallel_loop3A_396 = arith.addf %parallel_loop3A_393, %parallel_loop3A_395 : vector<16xf32>
          %parallel_loop3A_397 = arith.divf %parallel_loop3A_391, %parallel_loop3A_396 : vector<16xf32>
          %parallel_loop3A_398 = arith.constant 16 : i32
          %parallel_loop3A_399 = arith.muli %parallel_loop3A_340, %parallel_loop3A_398 : i32
          %parallel_loop3A_400 = vector.broadcast %parallel_loop3A_399 : i32 to vector<16xi32>
          %parallel_loop3A_401 = arith.addi %parallel_loop3A_400, %iota3A : vector<16xi32>
          %parallel_loop3A_402 = vector.broadcast %mul3A_2 : i32 to vector<16xi32>
          %parallel_loop3A_403 = arith.addi %parallel_loop3A_402, %parallel_loop3A_401 : vector<16xi32>
          %parallel_loop3A_404 = arith.constant 4.500000e-01 : f32
          %parallel_loop3A_405 = vector.broadcast %parallel_loop3A_404 : f32 to vector<16xf32>
          %parallel_loop3A_406 = arith.cmpf ogt, %parallel_loop3A_378, %parallel_loop3A_405 : vector<16xf32>
          %parallel_loop3A_407 = arith.constant 4.500000e-01 : f32
          %parallel_loop3A_408 = vector.broadcast %parallel_loop3A_407 : f32 to vector<16xf32>
          %parallel_loop3A_409 = arith.cmpf ogt, %parallel_loop3A_397, %parallel_loop3A_408 : vector<16xf32>
          %parallel_loop3A_410 = arith.ori %parallel_loop3A_406, %parallel_loop3A_409 : vector<16xi1>
          %parallel_loop3A_411 = vector.broadcast %reduce_min3A_119 : i32 to vector<16xi32>
          %parallel_loop3A_412 = arith.cmpi eq, %parallel_loop3A_403, %parallel_loop3A_411 : vector<16xi32>
          %parallel_loop3A_413 = arith.ori %parallel_loop3A_410, %parallel_loop3A_412 : vector<16xi1>
          %parallel_loop3A_414 = vector.broadcast %select_n3A_249 : i32 to vector<16xi32>
          %parallel_loop3A_415 = arith.cmpi eq, %parallel_loop3A_403, %parallel_loop3A_414 : vector<16xi32>
          %parallel_loop3A_416 = arith.ori %parallel_loop3A_413, %parallel_loop3A_415 : vector<16xi1>
          %parallel_loop3A_417 = arith.constant 0xFF800000 : f32
          %parallel_loop3A_418 = vector.broadcast %parallel_loop3A_417 : f32 to vector<16xf32>
          %parallel_loop3A_419 = arith.select %parallel_loop3A_416, %parallel_loop3A_418, %parallel_loop3A_356 : vector<16xi1>, vector<16xf32>
          %parallel_loop3A_420 = arith.index_cast %parallel_loop3A_346 : i32 to index
          %parallel_loop3A_421 = tpu.vector_load %arg12[%parallel_loop3A_420] {strides = array<i32>} : memref<1280xf32, #tpu.memory_space<vmem>>, vector<16xf32>,
          tpu.vector_store %arg12[%parallel_loop3A_420], %parallel_loop3A_419 {strides = array<i32>} : memref<1280xf32, #tpu.memory_space<vmem>>, vector<16xf32>,
          %parallel_loop3A_422 = arith.cmpf ogt, %parallel_loop3A_419, %parallel_loop3A_341 : vector<16xf32>
          %parallel_loop3A_423 = arith.cmpf oeq, %parallel_loop3A_419, %parallel_loop3A_341 : vector<16xf32>
          %parallel_loop3A_424 = arith.cmpi slt, %parallel_loop3A_401, %parallel_loop3A_342 : vector<16xi32>
          %parallel_loop3A_425 = arith.andi %parallel_loop3A_423, %parallel_loop3A_424 : vector<16xi1>
          %parallel_loop3A_426 = arith.ori %parallel_loop3A_422, %parallel_loop3A_425 : vector<16xi1>
          %parallel_loop3A_427 = arith.select %parallel_loop3A_426, %parallel_loop3A_419, %parallel_loop3A_341 : vector<16xi1>, vector<16xf32>
          %parallel_loop3A_428 = arith.select %parallel_loop3A_426, %parallel_loop3A_401, %parallel_loop3A_342 : vector<16xi1>, vector<16xi32>
          %parallel_loop3A_429 = arith.select %parallel_loop3A_426, %parallel_loop3A_341, %parallel_loop3A_419 : vector<16xi1>, vector<16xf32>
          %parallel_loop3A_430 = arith.select %parallel_loop3A_426, %parallel_loop3A_342, %parallel_loop3A_401 : vector<16xi1>, vector<16xi32>
          %parallel_loop3A_431 = arith.cmpf ogt, %parallel_loop3A_429, %parallel_loop3A_343 : vector<16xf32>
          %parallel_loop3A_432 = arith.cmpf oeq, %parallel_loop3A_429, %parallel_loop3A_343 : vector<16xf32>
          %parallel_loop3A_433 = arith.cmpi slt, %parallel_loop3A_430, %parallel_loop3A_344 : vector<16xi32>
          %parallel_loop3A_434 = arith.andi %parallel_loop3A_432, %parallel_loop3A_433 : vector<16xi1>
          %parallel_loop3A_435 = arith.ori %parallel_loop3A_431, %parallel_loop3A_434 : vector<16xi1>
          %parallel_loop3A_436 = arith.select %parallel_loop3A_435, %parallel_loop3A_429, %parallel_loop3A_343 : vector<16xi1>, vector<16xf32>
          %parallel_loop3A_437 = arith.select %parallel_loop3A_435, %parallel_loop3A_430, %parallel_loop3A_344 : vector<16xi1>, vector<16xi32>
          scf.yield %parallel_loop3A_427, %parallel_loop3A_428, %parallel_loop3A_436, %parallel_loop3A_437 : vector<16xf32>, vector<16xi32>, vector<16xf32>, vector<16xi32>
        } {sc.loop_unroll_factor = 2 : i64, sc.parallel_access}
        %reduce_max3A_254 = arith.constant true
        %reduce_max3A_255 = vector.broadcast %reduce_max3A_254 : i1 to vector<16xi1>
        %reduce_max3A_256 = tpu.scan <max>, %parallel_loop3A_253#0 masked %reduce_max3A_255 : vector<16xf32>, vector<16xi1> -> vector<16xf32>
        %reduce_max3A_257 = vector.extract %reduce_max3A_256[15] : f32 from vector<16xf32>
        %eq3A_258 = vector.broadcast %reduce_max3A_257 : f32 to vector<16xf32>
        %eq3A_259 = arith.cmpf oeq, %parallel_loop3A_253#0, %eq3A_258 : vector<16xf32>
        %jit3A_260 = arith.constant 1073741824 : i32
        %broadcast_in_dim3A_261 = vector.broadcast %jit3A_260 : i32 to vector<16xi32>
        %select_n3A_262 = arith.select %eq3A_259, %parallel_loop3A_253#1, %broadcast_in_dim3A_261 : vector<16xi1>, vector<16xi32>
        %reduce_min3A_263 = arith.constant true
        %reduce_min3A_264 = vector.broadcast %reduce_min3A_263 : i1 to vector<16xi1>
        %reduce_min3A_265 = arith.constant -2147483648 : i32
        %reduce_min3A_266 = vector.broadcast %reduce_min3A_265 : i32 to vector<16xi32>
        %reduce_min3A_267 = arith.xori %select_n3A_262, %reduce_min3A_266 : vector<16xi32>
        %reduce_min3A_268 = tpu.scan <min>, %reduce_min3A_267 masked %reduce_min3A_264 : vector<16xi32>, vector<16xi1> -> vector<16xi32>
        %reduce_min3A_269 = arith.xori %reduce_min3A_268, %reduce_min3A_266 : vector<16xi32>
        %reduce_min3A_270 = vector.extract %reduce_min3A_269[15] : i32 from vector<16xi32>
        %eq3A_271 = vector.broadcast %reduce_min3A_270 : i32 to vector<16xi32>
        %eq3A_272 = arith.cmpi eq, %parallel_loop3A_253#1, %eq3A_271 : vector<16xi32>
        %select_n3A_273 = arith.select %eq3A_272, %parallel_loop3A_253#2, %parallel_loop3A_253#0 : vector<16xi1>, vector<16xf32>
        %select_n3A_274 = arith.select %eq3A_272, %parallel_loop3A_253#3, %parallel_loop3A_253#1 : vector<16xi1>, vector<16xi32>
        %reduce_max3A_275 = arith.constant true
        %reduce_max3A_276 = vector.broadcast %reduce_max3A_275 : i1 to vector<16xi1>
        %reduce_max3A_277 = tpu.scan <max>, %select_n3A_273 masked %reduce_max3A_276 : vector<16xf32>, vector<16xi1> -> vector<16xf32>
        %reduce_max3A_278 = vector.extract %reduce_max3A_277[15] : f32 from vector<16xf32>
        %eq3A_279 = vector.broadcast %reduce_max3A_278 : f32 to vector<16xf32>
        %eq3A_280 = arith.cmpf oeq, %select_n3A_273, %eq3A_279 : vector<16xf32>
        %jit3A_281 = arith.constant 1073741824 : i32
        %broadcast_in_dim3A_282 = vector.broadcast %jit3A_281 : i32 to vector<16xi32>
        %select_n3A_283 = arith.select %eq3A_280, %select_n3A_274, %broadcast_in_dim3A_282 : vector<16xi1>, vector<16xi32>
        %reduce_min3A_284 = arith.constant true
        %reduce_min3A_285 = vector.broadcast %reduce_min3A_284 : i1 to vector<16xi1>
        %reduce_min3A_286 = arith.constant -2147483648 : i32
        %reduce_min3A_287 = vector.broadcast %reduce_min3A_286 : i32 to vector<16xi32>
        %reduce_min3A_288 = arith.xori %select_n3A_283, %reduce_min3A_287 : vector<16xi32>
        %reduce_min3A_289 = tpu.scan <min>, %reduce_min3A_288 masked %reduce_min3A_285 : vector<16xi32>, vector<16xi1> -> vector<16xi32>
        %reduce_min3A_290 = arith.xori %reduce_min3A_289, %reduce_min3A_287 : vector<16xi32>
        %reduce_min3A_291 = vector.extract %reduce_min3A_290[15] : i32 from vector<16xi32>
        %broadcast_in_dim3A_292 = vector.broadcast %reduce_min3A_270 : i32 to vector<16xi32>
        %broadcast_in_dim3A_293 = vector.broadcast %reduce_max3A_257 : f32 to vector<16xf32>
        %swap3A_294 = arith.constant 0 : index
        %swap3A_295 = tpu.vector_load %arg13[%swap3A_294] {strides = array<i32>} : memref<256xf32, #tpu.memory_space<vmem>>, vector<16xf32>,
        tpu.vector_store %arg13[%swap3A_294], %broadcast_in_dim3A_293 {strides = array<i32>} : memref<256xf32, #tpu.memory_space<vmem>>, vector<16xf32>,
        %add3A_296 = arith.addi %reduce_min3A_270, %mul3A_2 : i32
        %broadcast_in_dim3A_297 = vector.broadcast %add3A_296 : i32 to vector<16xi32>
        %bitcast3A_298 = vector.bitcast %broadcast_in_dim3A_297 : vector<16xi32> to vector<16xf32>
        %swap3A_299 = arith.constant 16 : index
        %swap3A_300 = tpu.vector_load %arg13[%swap3A_299] {strides = array<i32>} : memref<256xf32, #tpu.memory_space<vmem>>, vector<16xf32>,
        tpu.vector_store %arg13[%swap3A_299], %bitcast3A_298 {strides = array<i32>} : memref<256xf32, #tpu.memory_space<vmem>>, vector<16xf32>,
        %gather3A_301 = tpu.vector_load_idx %arg8[%broadcast_in_dim3A_292] : memref<1280xf32, #tpu.memory_space<vmem>>[vector<16xi32>], vector<16xf32>,
        %swap3A_302 = arith.constant 32 : index
        %swap3A_303 = tpu.vector_load %arg13[%swap3A_302] {strides = array<i32>} : memref<256xf32, #tpu.memory_space<vmem>>, vector<16xf32>,
        tpu.vector_store %arg13[%swap3A_302], %gather3A_301 {strides = array<i32>} : memref<256xf32, #tpu.memory_space<vmem>>, vector<16xf32>,
        %gather3A_304 = tpu.vector_load_idx %arg9[%broadcast_in_dim3A_292] : memref<1280xf32, #tpu.memory_space<vmem>>[vector<16xi32>], vector<16xf32>,
        %swap3A_305 = arith.constant 48 : index
        %swap3A_306 = tpu.vector_load %arg13[%swap3A_305] {strides = array<i32>} : memref<256xf32, #tpu.memory_space<vmem>>, vector<16xf32>,
        tpu.vector_store %arg13[%swap3A_305], %gather3A_304 {strides = array<i32>} : memref<256xf32, #tpu.memory_space<vmem>>, vector<16xf32>,
        %gather3A_307 = tpu.vector_load_idx %arg10[%broadcast_in_dim3A_292] : memref<1280xf32, #tpu.memory_space<vmem>>[vector<16xi32>], vector<16xf32>,
        %swap3A_308 = arith.constant 64 : index
        %swap3A_309 = tpu.vector_load %arg13[%swap3A_308] {strides = array<i32>} : memref<256xf32, #tpu.memory_space<vmem>>, vector<16xf32>,
        tpu.vector_store %arg13[%swap3A_308], %gather3A_307 {strides = array<i32>} : memref<256xf32, #tpu.memory_space<vmem>>, vector<16xf32>,
        %gather3A_310 = tpu.vector_load_idx %arg11[%broadcast_in_dim3A_292] : memref<1280xf32, #tpu.memory_space<vmem>>[vector<16xi32>], vector<16xf32>,
        %swap3A_311 = arith.constant 80 : index
        %swap3A_312 = tpu.vector_load %arg13[%swap3A_311] {strides = array<i32>} : memref<256xf32, #tpu.memory_space<vmem>>, vector<16xf32>,
        tpu.vector_store %arg13[%swap3A_311], %gather3A_310 {strides = array<i32>} : memref<256xf32, #tpu.memory_space<vmem>>, vector<16xf32>,
        %broadcast_in_dim3A_313 = vector.broadcast %reduce_min3A_291 : i32 to vector<16xi32>
        %broadcast_in_dim3A_314 = vector.broadcast %reduce_max3A_278 : f32 to vector<16xf32>
        %swap3A_315 = arith.constant 128 : index
        %swap3A_316 = tpu.vector_load %arg13[%swap3A_315] {strides = array<i32>} : memref<256xf32, #tpu.memory_space<vmem>>, vector<16xf32>,
        tpu.vector_store %arg13[%swap3A_315], %broadcast_in_dim3A_314 {strides = array<i32>} : memref<256xf32, #tpu.memory_space<vmem>>, vector<16xf32>,
        %add3A_317 = arith.addi %reduce_min3A_291, %mul3A_2 : i32
        %broadcast_in_dim3A_318 = vector.broadcast %add3A_317 : i32 to vector<16xi32>
        %bitcast3A_319 = vector.bitcast %broadcast_in_dim3A_318 : vector<16xi32> to vector<16xf32>
        %swap3A_320 = arith.constant 144 : index
        %swap3A_321 = tpu.vector_load %arg13[%swap3A_320] {strides = array<i32>} : memref<256xf32, #tpu.memory_space<vmem>>, vector<16xf32>,
        tpu.vector_store %arg13[%swap3A_320], %bitcast3A_319 {strides = array<i32>} : memref<256xf32, #tpu.memory_space<vmem>>, vector<16xf32>,
        %gather3A_322 = tpu.vector_load_idx %arg8[%broadcast_in_dim3A_313] : memref<1280xf32, #tpu.memory_space<vmem>>[vector<16xi32>], vector<16xf32>,
        %swap3A_323 = arith.constant 160 : index
        %swap3A_324 = tpu.vector_load %arg13[%swap3A_323] {strides = array<i32>} : memref<256xf32, #tpu.memory_space<vmem>>, vector<16xf32>,
        tpu.vector_store %arg13[%swap3A_323], %gather3A_322 {strides = array<i32>} : memref<256xf32, #tpu.memory_space<vmem>>, vector<16xf32>,
        %gather3A_325 = tpu.vector_load_idx %arg9[%broadcast_in_dim3A_313] : memref<1280xf32, #tpu.memory_space<vmem>>[vector<16xi32>], vector<16xf32>,
        %swap3A_326 = arith.constant 176 : index
        %swap3A_327 = tpu.vector_load %arg13[%swap3A_326] {strides = array<i32>} : memref<256xf32, #tpu.memory_space<vmem>>, vector<16xf32>,
        tpu.vector_store %arg13[%swap3A_326], %gather3A_325 {strides = array<i32>} : memref<256xf32, #tpu.memory_space<vmem>>, vector<16xf32>,
        %gather3A_328 = tpu.vector_load_idx %arg10[%broadcast_in_dim3A_313] : memref<1280xf32, #tpu.memory_space<vmem>>[vector<16xi32>], vector<16xf32>,
        %swap3A_329 = arith.constant 192 : index
        %swap3A_330 = tpu.vector_load %arg13[%swap3A_329] {strides = array<i32>} : memref<256xf32, #tpu.memory_space<vmem>>, vector<16xf32>,
        tpu.vector_store %arg13[%swap3A_329], %gather3A_328 {strides = array<i32>} : memref<256xf32, #tpu.memory_space<vmem>>, vector<16xf32>,
        %gather3A_331 = tpu.vector_load_idx %arg11[%broadcast_in_dim3A_313] : memref<1280xf32, #tpu.memory_space<vmem>>[vector<16xi32>], vector<16xf32>,
        %swap3A_332 = arith.constant 208 : index
        %swap3A_333 = tpu.vector_load %arg13[%swap3A_332] {strides = array<i32>} : memref<256xf32, #tpu.memory_space<vmem>>, vector<16xf32>,
        tpu.vector_store %arg13[%swap3A_332], %gather3A_331 {strides = array<i32>} : memref<256xf32, #tpu.memory_space<vmem>>, vector<16xf32>,
        %jit3A_334 = arith.constant 2 : i32
        %jit3A_335 = arith.constant 1 : i32
        %select_n3A_336 = arith.select %eq3A_230, %jit3A_334, %jit3A_335 : i32
        %add3A_337 = arith.addi %while3A_86, %select_n3A_336 : i32
        %add3A_338 = arith.constant 1 : i32
        %add3A_339 = arith.addi %while3A_87, %add3A_338 : i32
        scf.yield %add3A_337, %add3A_339 : i32, i32
      }
      %eq3A_81 = arith.constant 0 : i32
      %eq3A_82 = arith.cmpi eq, %arg1, %eq3A_81 : i32
      %convert_element_type3A_83 = arith.extui %eq3A_82 : i1 to i32
      %cond3A_84 = arith.constant 0 : i32
      %cond3A_85 = arith.cmpi ne, %convert_element_type3A_83, %cond3A_84 : i32
      scf.if %cond3A_85 {
        "tpu.region"() ({
          %run_scoped3A = tpu.sem_alloc : memref<!tpu.dma_semaphore, #tpu.memory_space<semaphore_mem>>
          tpu.enqueue_dma source(%arg15 : memref<4864xf32, #tpu.memory_space<vmem>>) target(%arg7 : memref<4864xf32, #tpu.memory_space<hbm>>) target_semaphore(%run_scoped3A : memref<!tpu.dma_semaphore, #tpu.memory_space<semaphore_mem>>)
          tpu.wait_dma2 semaphore(%run_scoped3A : memref<!tpu.dma_semaphore, #tpu.memory_space<semaphore_mem>>) src(%arg15 : memref<4864xf32, #tpu.memory_space<vmem>>) dst(%arg7 : memref<4864xf32, #tpu.memory_space<hbm>>)
          tpu.yield
        }) : () -> ()
      } else {
      }
    } else {
    }
    return
  }
}

</mosaic_0001>

<sc_bundles>
// kernel: kernel.3.cloned.1.call-start
scs
__scs_entry_jumppad:
0x0: {  	(pc) =	sbr.rel $0x88, $3  }
0x1: {  	(tag) =	ssettag $0x0;
	lr =	simm.s32 $0x1  }
0x2: {  	[smem:$0x3F9F] =	sst lr;
	_ =	strace $0xD0000000  }
0x3: {  	_ = 	snop  }
0x4: {  	_ = 	snop  }
0x5: {  	_ = 	snop  }
0x6: {  	_ = 	snop  }
0x7: {  	_ = 	snop  }
__scs_overlays_trampoline_lowered:
0x8: {  	[smem:$0x3FAE] =	sst s0  }
0x9: {  	[smem:$0x3FAF] =	sst s1  }
0xa: {  	[smem:$0x3FB0] =	sst s2  }
0xb: {  	[smem:$0x3FB1] =	sst s3  }
0xc: {  	[smem:$0x3FB2] =	sst s4  }
0xd: {  	[smem:$0x3FB3] =	sst s5  }
0xe: {  	[smem:$0x3FB4] =	sst s6  }
0xf: {  	[smem:$0x3FB5] =	sst s7  }
0x10: {  	[smem:$0x3FB6] =	sst s8  }
0x11: {  	[smem:$0x3FB7] =	sst s9;
	s0 =	simm.s32 @!p0 $0x0  }
0x12: {  	s1 =	sld [smem:$0x3F9D];
	s0 =	simm.s32 @p0 $0x1  }
0x13: {  	[smem:$0x3FB8] =	sst s0;
	s0 =	simm.s32 @!p1 $0x0  }
0x14: {  	s2 =	sld [smem:$0x3F9C];
	s0 =	simm.s32 @p1 $0x1  }
0x15: {  	[smem:$0x3FB9] =	sst s0;
	s0 =	simm.s32 @!p2 $0x0  }
0x16: {  	s3 =	sld [smem:$0x3FDB];
	s0 =	simm.s32 @p2 $0x1  }
0x17: {  	s4 =	simm.s32 $0x1BF5;
	[smem:$0x3FBB] =	sst s0  }
0x18: {  	s0 =	sld [smem:$0x3F9E];
	_ =	swait.ge [sflag:s4], $0x0  }
0x19: {  	s7 =	sld [smem:$0x3F9F]  }
0x1a: {  	s8 =	sadd.s32 $0xFFFFE003, lr  }
0x1b: {  	s9 =	sadd.s32 $0xFFFFFEF7, lr;
	s5 =	simm.s32 $0xFFFFFFFF;
	p2 =	slt.u32 s8, $0xFFFFF086  }
0x1c: {  	p1 =	slt.u32 s9, $0xF7A;
	s5 =	simm.s32 @!p2 $0x0  }
0x1d: {  	s5 =	simm.s32 @p1 $0x1;
	p0 =	seq.s32 s7, s2  }
0x1e: {  	s7 =	smul.u32 @!p0 $0xF7A, s2;
	p2 =	seq.s32 @!p0 s5, $0x0  }
0x1f: {  	s9 =	smul.u32 $0xF7A, s1;
	s8 =	simm.s32 @!p0 $0x1BF5;
	p2 =	por !p2, p0  }
0x20: {  	[sflag:s8] =	ssyncset.s32 @!p0 $0xFFFFF086;
	s6 =	sadd.s32 @!p0 s3, s7;
	s7 =	simm.s32 @!p0 $0x108  }
0x21: {  	s3 =	sadd.s32 s3, s9;
	s6 =	sadd.s32 @!p0 $0x88, s6;
	s7 =	simm.s32 @p2 $0x1082  }
0x22: {  	[simem:s7], [sflag:s8] =	dma.local @!p0 [hbm:s6], $0xF7A  }
0x23: {  	s9 =	sor.u32 $0xD0000000, s2;
	s6 =	simm.s32 $0x108;
	_ =	swait.ge @!p0 [sflag:s8], $0x0  }
0x24: {  	s3 =	sadd.s32 $0x88, s3;
	s6 =	simm.s32 @!p1 $0x1082;
	[sflag:s4] =	ssyncset.s32 $0xFFFFF086  }
0x25: {  	[simem:s6], [sflag:s4] =	dma.local [hbm:s3], $0xF7A  }
0x26: {  	[smem:$0x3F9F] =	sst s1;
	(tag) =	ssettag s2;
	_ =	strace s9  }
0x27: {  	s1 =	sld [smem:$0x3FAF]  }
0x28: {  	s2 =	sld [smem:$0x3FB0]  }
0x29: {  	s4 =	sld [smem:$0x3FB2]  }
0x2a: {  	p0 =	seq.s32 s5, $0x0;
	s5 =	sld [smem:$0x3FB3]  }
0x2b: {  	s6 =	sld [smem:$0x3FB4]  }
0x2c: {  	s7 =	sld [smem:$0x3FB5]  }
0x2d: {  	s3 =	simm.s32 $0x108;
	s8 =	sld [smem:$0x3FB6]  }
0x2e: {  	s3 =	simm.s32 @!p0 $0x1082;
	s9 =	sld [smem:$0x3FB7]  }
0x2f: {  	lr =	sadd.s32 s0, s3;
	s0 =	sld [smem:$0x3FAE]  }
0x30: {  	s3 =	sld [smem:$0x3FB1]  }
0x31: {  	[smem:$0x3FBA] =	sst s10  }
0x32: {  	s10 =	sld [smem:$0x3FB8];
	_ =	sdelay $0x3  }
0x33: {  	p0 =	seq.s32 s10, $0x1;
	s10 =	sld [smem:$0x3FBA];
	_ =	sdelay $0x3  }
0x34: {  	[smem:$0x3FBA] =	sst s10  }
0x35: {  	s10 =	sld [smem:$0x3FB9];
	_ =	sdelay $0x3  }
0x36: {  	p1 =	seq.s32 s10, $0x1;
	s10 =	sld [smem:$0x3FBA];
	_ =	sdelay $0x3  }
0x37: {  	[smem:$0x3FBA] =	sst s10  }
0x38: {  	s10 =	sld [smem:$0x3FBB]  }
0x39: {  	_ = 	snop;
	(pc) =	sbr.ind lr, $3  }
0x3a: {  	_ = 	snop  }
0x3b: {  	_ = 	snop  }
0x3c: {  	p2 =	seq.s32 s10, $0x1;
	s10 =	sld [smem:$0x3FBA]  }
0x3d: {  	_ =	shalt  }
0x3e: {  	_ =	shalt  }
0x3f: {  	_ =	shalt  }
0x40: {  	_ =	shalt  }
0x41: {  	_ =	shalt  }
0x42: {  	_ =	shalt  }
0x43: {  	_ =	shalt  }
0x44: {  	_ =	shalt  }
0x45: {  	_ =	shalt  }
0x46: {  	_ =	shalt  }
0x47: {  	_ =	shalt  }
0x48: {  	_ =	shalt  }
0x49: {  	_ =	shalt  }
0x4a: {  	_ =	shalt  }
0x4b: {  	_ =	shalt  }
0x4c: {  	_ =	shalt  }
0x4d: {  	_ =	shalt  }
0x4e: {  	_ =	shalt  }
0x4f: {  	_ =	shalt  }
0x50: {  	_ =	shalt  }
0x51: {  	_ =	shalt  }
0x52: {  	_ =	shalt  }
0x53: {  	_ =	shalt  }
0x54: {  	_ =	shalt  }
0x55: {  	_ =	shalt  }
0x56: {  	_ =	shalt  }
0x57: {  	_ =	shalt  }
0x58: {  	_ =	shalt  }
0x59: {  	_ =	shalt  }
0x5a: {  	_ =	shalt  }
0x5b: {  	_ =	shalt  }
0x5c: {  	_ =	shalt  }
0x5d: {  	_ =	shalt  }
0x5e: {  	_ =	shalt  }
0x5f: {  	_ =	shalt  }
0x60: {  	_ =	shalt  }
0x61: {  	_ =	shalt  }
0x62: {  	_ =	shalt  }
0x63: {  	_ =	shalt  }
0x64: {  	_ =	shalt  }
0x65: {  	_ =	shalt  }
0x66: {  	_ =	shalt  }
0x67: {  	_ =	shalt  }
0x68: {  	_ =	shalt  }
0x69: {  	_ =	shalt  }
0x6a: {  	_ =	shalt  }
0x6b: {  	_ =	shalt  }
0x6c: {  	_ =	shalt  }
0x6d: {  	_ =	shalt  }
0x6e: {  	_ =	shalt  }
0x6f: {  	_ =	shalt  }
0x70: {  	_ =	shalt  }
0x71: {  	_ =	shalt  }
0x72: {  	_ =	shalt  }
0x73: {  	_ =	shalt  }
0x74: {  	_ =	shalt  }
0x75: {  	_ =	shalt  }
0x76: {  	_ =	shalt  }
0x77: {  	_ =	shalt  }
0x78: {  	_ =	shalt  }
0x79: {  	_ =	shalt  }
0x7a: {  	_ =	shalt  }
0x7b: {  	_ =	shalt  }
0x7c: {  	_ =	shalt  }
0x7d: {  	_ =	shalt  }
0x7e: {  	_ =	shalt  }
0x7f: {  	_ =	shalt  }
0x80: {  	_ =	shalt  }
0x81: {  	_ =	shalt  }
0x82: {  	_ =	shalt  }
0x83: {  	_ =	shalt  }
0x84: {  	_ =	shalt  }
0x85: {  	_ =	shalt  }
0x86: {  	_ =	shalt  }
0x87: {  	_ =	shalt  }
.Lfunc_end0:
.L_simem_size_0:
called_computation_lowered:
.L_overlay_start_0:
0x88: {  	s2 =	sld [smem:$0x3FD9]  }
0x89: {  	s3 =	sld [smem:$0x3FFE];
	_ =	sdelay $0x1  }
0x8a: {  	s1 =	srdreg.scid  }
0x8b: {  	s0 =	sand.u32 $0x1, s1  }
0x8c: {  	s16 =	sshll.u32 s0, $0xA;
	s2 =	sadd.s32 s3, s2  }
0x8d: {  	s2 =	sadd.s32 s2, s16  }
0x8e: {  	[smem:$0x3FC6] =	sst s2  }
0x8f: {  	_ = 	snop  }
0x90: {  	(tm) =	ssettm $0x1  }
0x91: {  	s17 =	sld [smem:$0x3FFB];
	_ =	sdelay $0x3  }
0x92: {  	_ =	strace s17  }
0x93: {  	s2 =	sld [smem:$0x3FFC];
	_ =	sdelay $0x3  }
0x94: {  	_ =	strace s2  }
0x95: {  	s2 =	sld [smem:$0x3FFD];
	_ =	sdelay $0x3  }
0x96: {  	_ =	strace s2  }
0x97: {  	_ =	strace $0x8FFFFFFF  }
0x98: {  	s18 =	sld [smem:$0x3FDB];
	_ =	sdelay $0x1  }
0x99: {  	s19 =	simm.s32 $_scs_section_size  }
0x9a: {  	s4 =	simm.s32 $_size__tile_overlayer_lowered;
	s5 =	simm.s32 $_tile_overlayer_lowered  }
0x9b: {  	s22 =	simm.s32 $0x1BFF;
	s21 =	sshll.u32 s5, $0x1;
	s2 =	sadd.s32 s19, s18  }
0x9c: {  	s6 =	simm.s32 $0x0;
	s20 =	sshll.u32 s4, $0x1;
	s4 =	sadd.s32 s21, s2  }
0x9d: {  	[timem:s6], [sflag:s22] =	dma.local [hbm:s4], s20  }
0x9e: {  	_ =	swait.ge [sflag:s22], s20  }
0x9f: {  	s3 =	ssub.s32 $0x0, s20;
	[sflag:s22] =	ssyncset.done $0x0  }
0xa0: {  	[sflag:s22] =	ssyncadd.s32 s3;
	_ =	sdelay $0x1  }
0xa1: {  	s23 =	simm.s32 $0x1B8B  }
0xa2: {  	_ =	swait.ge [sflag:s23], $0x1  }
0xa3: {  	[sflag:s23] =	ssyncset.done $0x0  }
0xa4: {  	s25 =	simm.s32 $0x1B8E;
	s24 =	sld [smem:$0x3FFE];
	[sflag:s23] =	ssyncadd.s32 $0xFFFFFFFF  }
0xa5: {  	s26 =	simm.s32 $execute0_lowered;
	[smem:$0x3FD2] =	sst s25  }
0xa6: {  	s4 =	sshll.u32 s26, $0x1;
	_ =	strace $0x80000046;
	[dreg:$0x1] =	wrdreg $0xFFFFFFFF  }
0xa7: {  	s28 =	simm.s32 $_size_execute0_lowered;
	s2 =	sadd.s32 s2, s4;
	[dreg:$0x0] =	wrdreg $0x0  }
0xa8: {  	s4 =	sshll.u32 s28, $0x1;
	[dreg:$0x2] =	wrdreg s2  }
0xa9: {  	[dreg:$0x3] =	wrdreg s4  }
0xaa: {  	[dreg:$0x4] =	wrdreg $0xC0  }
0xab: {  	_ =	task [dreg:s6], $0x5FFFF  }
0xac: {  	[dreg:$0x1] =	wrdreg $0xFFFFFFFF  }
0xad: {  	[dreg:$0x0] =	wrdreg $0x60  }
0xae: {  	[dreg:$0x2] =	wrdreg s24  }
0xaf: {  	[dreg:$0x3] =	wrdreg $0x3D000  }
0xb0: {  	[dreg:$0x4] =	wrdreg $0x9  }
0xb1: {  	_ =	task.clear_ibuf [dreg:s6], $0x5FFFF;
	_ =	strace $0x90000046  }
0xb2: {  	s29 =	simm.s32 $0x9;
	_ =	strace $0x80000048  }
0xb3: {  	_ =	swait.ge [sflag:s29], $0x1  }
0xb4: {  	[sflag:s29] =	ssyncadd.s32 $0xFFFFFFFF  }
0xb5: {  	_ =	strace $0x90000048  }
0xb6: {  	_ =	sfence  }
0xb7: {  	s30 =	sld [smem:$0x0];
	_ =	sdelay $0x2  }
0xb8: {  	s31 =	sshll.u32 s1, $0xD;
	s1 =	sshrl.u32 s1, $0x2  }
0xb9: {  	s3 =	sand.u32 $0x4000, s31;
	s1 =	sadd.s32 s1, s30  }
0xba: {  	s0 =	sor.u32 s3, s0;
	s1 =	sshll.u32 s1, $0x11  }
0xbb: {  	s0 =	sor.u32 s1, s0  }
0xbc: {  	s0 =	sadd.s32 $0x8F2B, s0  }
0xbd: {  	[sflag:s0] =	ssyncadd.remote.s32 $0x1  }
0xbe: {  	_ =	sfence.sel $0xFFFF  }
0xbf: {  	[dreg:$0x0] =	wrdreg $0xFFFFFFFF;
	(pc) =	sbr.abs _section_cstart, $3  }
0xc0: {  	[dreg:$0x1] =	wrdreg $0xFFFFFFFF  }
0xc1: {  	_ =	task.clear_ibuf [dreg:s6], $0x2FFFF;
	_ =	strace $0x9FFFFFFF  }
0xc2: {  	(tm) =	ssettm $0x7FFFFFFF  }
0xc3: {  	_ =	shalt  }
tec
execute0_lowered:
.L_overlay_start_1:
0x0: {  	(tag) =	ssettag $0x1  }
0x1: {  	s1 =	srdreg.scid  }
0x2: {  	s1 =	sand.u32 $0x1, s1  }
0x3: {  	p0 =	seq.s32 s1, $0x1  }
.Ltmp0:
0x4: {  	_ = 	snop;
	(pc) =	sbr.rel @p0 .LBB2_8-.Ltmp0, $4  }
0x5: {  	s4 =	rddreg [dreg:$0x0]  }
0x6: {  	s2 =	rddreg [dreg:$0x1];
	s5 =	simm.s32 $0x0  }
0x7: {  	[smem:$0x7FF] =	sst s5  }
0x8: {  	s0 =	rddreg [dreg:$0x2];
	_ =	strace $0x80000047;
	s1 =	stileid.u32  }
0x9: {  	s3 =	smul.u32 $0x500, s1;
	_ =	sdelay $0x1  }
0xa: {  	s6 =	sadd.s32 $0x2600, s4;
	s7 =	sshrl.u32 s3, $0x3  }
0xb: {  	s18 =	simm.s32 $0x1;
	s6 =	sadd.s32 s6, s7  }
0xc: {  	[tilespmem:s5], [sflag:$0x1] =	stream.linear.gather [hbm4b:s6+s5], $0x500, $0x38;
	[tilespmem:$0x3F00] =	vst v63  }
0xd: {  	_ =	swait.ge [sflag:s18], $0x500  }
0xe: {  	s8 =	sadd.s32 $0x1200, s4;
	[sflag:s18] =	ssyncset.done $0x0  }
0xf: {  	s9 =	simm.s32 $0x500;
	s8 =	sadd.s32 s8, s7;
	[sflag:s18] =	ssyncadd.s32 $0xFFFFFB00  }
0x10: {  	[tilespmem:s9], [sflag:$0x1] =	stream.linear.gather [hbm4b:s8+s5], $0x500, $0x38;
	[tilespmem:$0x3F00] =	vst v63  }
0x11: {  	_ =	swait.ge [sflag:s18], $0x500  }
0x12: {  	s19 =	sadd.s32 $0x1C00, s4;
	[sflag:s18] =	ssyncset.done $0x0  }
0x13: {  	s20 =	simm.s32 $0xA00;
	s8 =	sadd.s32 s19, s7;
	[sflag:s18] =	ssyncadd.s32 $0xFFFFFB00  }
0x14: {  	[tilespmem:s20], [sflag:$0x1] =	stream.linear.gather [hbm4b:s8+s5], $0x500, $0x38;
	[tilespmem:$0x3F00] =	vst v63  }
0x15: {  	_ =	swait.ge [sflag:s18], $0x500  }
0x16: {  	s21 =	sadd.s32 $0x800, s4;
	[sflag:s18] =	ssyncset.done $0x0  }
0x17: {  	s22 =	simm.s32 $0xF00;
	s8 =	sadd.s32 s21, s7;
	[sflag:s18] =	ssyncadd.s32 $0xFFFFFB00  }
0x18: {  	[tilespmem:s22], [sflag:$0x1] =	stream.linear.gather [hbm4b:s8+s5], $0x500, $0x38;
	[tilespmem:$0x3F00] =	vst v63  }
0x19: {  	_ =	swait.ge [sflag:s18], $0x500  }
0x1a: {  	s23 =	sadd.s32 $0x3000, s4;
	[sflag:s18] =	ssyncset.done $0x0  }
0x1b: {  	s24 =	simm.s32 $0x1400;
	s7 =	sadd.s32 s23, s7;
	[sflag:s18] =	ssyncadd.s32 $0xFFFFFB00  }
0x1c: {  	[tilespmem:s24], [sflag:$0x1] =	stream.linear.gather [hbm4b:s7+s5], $0x500, $0x38;
	[tilespmem:$0x3F00] =	vst v63  }
0x1d: {  	_ =	swait.ge [sflag:s18], $0x500  }
0x1e: {  	[sflag:s18] =	ssyncset.done $0x0  }
0x1f: {  	s25 =	simm.s32 $0x1420;
	[sflag:s18] =	ssyncadd.s32 $0xFFFFFB00  }
0x20: {  	v2 =	vld [tilespmem:s25+$0xFFFFFFE0];
	_ =	sdelay $0x1  }
0x21: {  	v4 =	vld [tilespmem:s25+$0x10]  }
0x22: {  	v3 =	vld [tilespmem:s25+$0xFFFFFFF0]  }
0x23: {  	v1 =	vlaneseq.u32;
	s26 =	simm.s32 $0x10;
	v5 =	vld [tilespmem:s25+$0x0]  }
0x24: {  	v6 =	vimm.f32 $-Inf;
	s28 =	simm.s32 $0x20;
	v7 =	vor.u32 s26, v1;
	vm0 =	vge.f32 v2, $2.500000000e-01  }
0x25: {  	v9 =	vor.u32 s28, v1;
	v8 =	vnsel vm0, $0xFF800000, v2;
	v2 =	vor.u32 s5, v1  }
0x26: {  	v0 =	vmov s3;
	vm0 =	veq.f32 v8, v6;
	vm1 =	vlt.s32 v2, v1  }
0x27: {  	vm2 =	vge.f32 v4, $2.500000000e-01;
	vm3 =	vgt.f32 v8, v6;
	vm0 =	vmand vm1, vm0  }
0x28: {  	vm4 =	vge.f32 v5, $2.500000000e-01;
	vm1 =	vge.f32 v3, $2.500000000e-01;
	vm0 =	vmor vm3, vm0  }
0x29: {  	v10 =	vnsel vm1, $0xFF800000, v3;
	v3 =	vnsel vm4, $0xFF800000, v5;
	v11 =	vsel vm0, v8, v6  }
0x2a: {  	v12 =	vsel vm0, v2, v1;
	v13 =	vsel vm0, v1, v2;
	v14 =	vsel vm0, v6, v8  }
0x2b: {  	s29 =	simm.s32 $0x30;
	v2 =	vnsel vm2, $0xFF800000, v4;
	vm1 =	veq.f32 v10, v11;
	vm3 =	vlt.s32 v7, v12  }
0x2c: {  	v4 =	vor.u32 s29, v1;
	vm13 =	vgt.f32 v10, v11;
	vm1 =	vmand vm1, vm3  }
0x2d: {  	vm14 =	veq.f32 v14, v6;
	vm5 =	vlt.s32 v13, v1;
	vm0 =	vmor vm13, vm1  }
0x2e: {  	vm4 =	vmand vm14, vm5;
	vm1 =	vgt.f32 v14, v6;
	v5 =	vsel vm0, v10, v11  }
0x2f: {  	v15 =	vsel vm0, v7, v12;
	v7 =	vsel vm0, v12, v7;
	vm1 =	vmor vm1, vm4  }
0x30: {  	[tilespmem:s25+$0xFFFFFFF0] =	vst v10;
	v10 =	vsel vm0, v11, v10;
	vm2 =	veq.f32 v3, v5;
	vm3 =	vlt.s32 v9, v15  }
0x31: {  	s30 =	sshll.u32 s1, $0x8;
	s31 =	sshll.u32 s1, $0x7;
	[tilespmem:s25+$0xFFFFFFE0] =	vst v8;
	vm15 =	vgt.f32 v3, v5;
	v11 =	vsel vm1, v14, v6;
	vm2 =	vmand vm2, vm3  }
0x32: {  	s4 =	sadd.s32 $0x3A00, s4;
	s6 =	sand.u32 $0x380, s31;
	s9 =	simm.s32 $0x1460;
	[tilespmem:s25+$0x0] =	vst v3;
	v12 =	vsel vm1, v13, v1;
	vm1 =	veq.f32 v10, v11;
	vm0 =	vmor vm15, vm2  }
0x33: {  	s8 =	simm.s32 $0x40;
	s7 =	simm.s32 $0x0;
	s5 =	sand.u32 $0x800, s30;
	[tilespmem:s25+$0x10] =	vst v2;
	v6 =	vsel vm0, v3, v5;
	v8 =	vsel vm0, v9, v15;
	v9 =	vsel vm0, v15, v9  }
.LBB2_2:
0x34: {  	v13 =	vld [tilespmem:s9+$0xFFFFFFE0];
	s10 =	sadd.s32 $0x10, s8;
	s11 =	sadd.s32 $0x20, s8;
	s7 =	sadd.s32 $0x4, s7;
	vm2 =	vgt.f32 v10, v11;
	vm3 =	vlt.s32 v7, v12;
	vm4 =	veq.f32 v2, v6  }
0x35: {  	v14 =	vor.u32 s10, v1;
	v15 =	vor.u32 s11, v1;
	v16 =	vld [tilespmem:s9+$0x10];
	p0 =	slt.u32 s7, $0x4C;
	vm1 =	vmand vm1, vm3  }
0x36: {  	vm3 =	vlt.s32 v4, v8;
	v17 =	vld [tilespmem:s9+$0xFFFFFFF0];
	vm1 =	vmor vm2, vm1;
	vm2 =	vgt.f32 v2, v6  }
0x37: {  	v3 =	vsel vm0, v5, v3;
	v18 =	vld [tilespmem:s9+$0x0];
	v10 =	vsel vm1, v10, v11;
	v7 =	vsel vm1, v7, v12  }
0x38: {  	vm1 =	vgt.f32 v3, v10;
	vm0 =	veq.f32 v3, v10;
	vm5 =	vlt.s32 v9, v7  }
0x39: {  	vm3 =	vmand vm4, vm3;
	vm6 =	vge.f32 v13, $2.500000000e-01;
	vm5 =	vmand vm0, vm5  }
0x3a: {  	v5 =	vnsel vm6, $0xFF800000, v13;
	vm0 =	vge.f32 v16, $2.500000000e-01;
	vm1 =	vmor vm1, vm5  }
0x3b: {  	[tilespmem:s9+$0xFFFFFFE0] =	vst v5;
	v10 =	vsel vm1, v3, v10;
	v7 =	vsel vm1, v9, v7  }
0x3c: {  	v9 =	vor.u32 s8, v1;
	vm1 =	vge.f32 v17, $2.500000000e-01;
	vm4 =	vge.f32 v18, $2.500000000e-01  }
0x3d: {  	v11 =	vnsel vm1, $0xFF800000, v17;
	vm1 =	vmor vm2, vm3;
	v3 =	vnsel vm4, $0xFF800000, v18  }
0x3e: {  	v12 =	vsel vm1, v2, v6;
	v13 =	vsel vm1, v4, v8;
	v4 =	vsel vm1, v8, v4;
	[tilespmem:s9+$0xFFFFFFF0] =	vst v11  }
0x3f: {  	vm2 =	vgt.f32 v5, v12;
	vm3 =	veq.f32 v5, v12;
	vm4 =	vlt.s32 v9, v13;
	[tilespmem:s9+$0x0] =	vst v3  }
0x40: {  	v2 =	vsel vm1, v6, v2;
	vm1 =	vlt.s32 v4, v7;
	vm3 =	vmand vm4, vm3  }
0x41: {  	vm4 =	veq.f32 v2, v10;
	vm2 =	vmor vm2, vm3;
	vm3 =	vgt.f32 v2, v10  }
0x42: {  	vm1 =	vmand vm4, vm1;
	v6 =	vsel vm2, v5, v12;
	v8 =	vsel vm2, v9, v13  }
0x43: {  	v9 =	vsel vm2, v13, v9;
	vm1 =	vmor vm3, vm1;
	vm4 =	veq.f32 v11, v6  }
0x44: {  	v12 =	vsel vm2, v12, v5;
	vm2 =	vgt.f32 v11, v6;
	vm3 =	vlt.s32 v14, v8  }
0x45: {  	v13 =	vsel vm1, v2, v10;
	v17 =	vsel vm1, v4, v7;
	vm3 =	vmand vm4, vm3  }
0x46: {  	v2 =	vnsel vm0, $0xFF800000, v16;
	vm1 =	vmor vm2, vm3  }
0x47: {  	v5 =	vsel vm1, v11, v6;
	v16 =	vsel vm1, v14, v8;
	v7 =	vsel vm1, v8, v14;
	[tilespmem:s9+$0x10] =	vst v2  }
0x48: {  	s10 =	sadd.s32 $0x30, s8;
	vm0 =	vgt.f32 v12, v13;
	vm2 =	veq.f32 v3, v5;
	vm3 =	vlt.s32 v15, v16  }
.Ltmp1:
0x49: {  	v4 =	vor.u32 s10, v1;
	vm4 =	veq.f32 v12, v13;
	vm5 =	vlt.s32 v9, v17;
	(pc) =	sbr.rel @p0 .LBB2_2-.Ltmp1, $4  }
0x4a: {  	vm4 =	vmand vm4, vm5;
	vm5 =	vgt.f32 v3, v5;
	vm2 =	vmand vm2, vm3  }
0x4b: {  	v10 =	vsel vm1, v6, v11;
	vm3 =	vmor vm0, vm4;
	vm0 =	vmor vm5, vm2  }
0x4c: {  	v11 =	vsel vm3, v12, v13;
	v6 =	vsel vm0, v3, v5;
	v8 =	vsel vm0, v15, v16  }
0x4d: {  	s8 =	sadd.s32 $0x40, s8;
	s9 =	sadd.s32 $0x40, s9;
	v12 =	vsel vm3, v9, v17;
	vm1 =	veq.f32 v10, v11;
	v9 =	vsel vm0, v16, v15  }
0x4e: {  	vm2 =	veq.f32 v2, v6;
	vm3 =	vlt.s32 v4, v8  }
0x4f: {  	vm4 =	vgt.f32 v2, v6;
	vm2 =	vmand vm2, vm3  }
0x50: {  	vm2 =	vmor vm4, vm2  }
0x51: {  	v1 =	vsel vm2, v2, v6  }
0x52: {  	(xrf0) =	vmax.scan.msk.f32 $0xffff, v1;
	_ =	sdelay $0x5  }
0x53: {  	v13, _, _ =	vpop (xrf0)  }
0x54: {  	v13 =	vbroadcast v13, $0xF  }
0x55: {  	v14 =	vsel vm2, v4, v8  }
0x56: {  	v15 =	vxor.u32 $0x80000000, v14;
	vm3 =	veq.f32 v1, v13  }
0x57: {  	v15 =	vnsel vm3, $0xC0000000, v15  }
0x58: {  	(xrf0) =	vmin.scan.msk.u32 $0xffff, v15;
	_ =	sdelay $0x5  }
0x59: {  	v15, _, _ =	vpop (xrf0)  }
0x5a: {  	(v2sf) =	vpush v15, $0xF;
	_ =	sdelay $0x5  }
0x5b: {  	vm3 =	vlt.s32 v7, v12  }
0x5c: {  	vm4 =	vgt.f32 v10, v11;
	vm1 =	vmand vm1, vm3  }
0x5d: {  	vm1 =	vmor vm4, vm1  }
0x5e: {  	v3 =	vsel vm0, v5, v3;
	v10 =	vsel vm1, v10, v11;
	v7 =	vsel vm1, v7, v12  }
0x5f: {  	vm0 =	veq.f32 v3, v10;
	vm1 =	vlt.s32 v9, v7  }
0x60: {  	vm3 =	vgt.f32 v3, v10;
	vm0 =	vmand vm0, vm1  }
0x61: {  	v4 =	vsel vm2, v8, v4;
	vm0 =	vmor vm3, vm0  }
0x62: {  	v2 =	vsel vm2, v6, v2;
	v3 =	vsel vm0, v3, v10;
	v5 =	vsel vm0, v9, v7  }
0x63: {  	vm0 =	vlt.s32 v4, v5;
	vm1 =	veq.f32 v2, v3  }
0x64: {  	vm2 =	vgt.f32 v2, v3;
	vm0 =	vmand vm1, vm0;
	s7 =	spop (v2sf)  }
0x65: {  	vm0 =	vmor vm2, vm0;
	s7 =	sxor.u32 $0x80000000, s7  }
0x66: {  	v2 =	vsel vm0, v2, v3;
	vm1 =	veq.s32 v14, s7  }
0x67: {  	v1 =	vsel vm1, v2, v1  }
0x68: {  	(xrf0) =	vmax.scan.msk.f32 $0xffff, v1;
	_ =	sdelay $0x5  }
0x69: {  	v2, _, _ =	vpop (xrf0)  }
0x6a: {  	v3 =	vsel vm0, v4, v5;
	v2 =	vbroadcast v2, $0xF  }
0x6b: {  	v3 =	vsel vm1, v3, v14  }
0x6c: {  	v4 =	vmov s7;
	s7 =	sadd.s32 s3, s7;
	vm0 =	veq.f32 v1, v2;
	v1 =	vxor.u32 $0x80000000, v3  }
0x6d: {  	v3 =	vmov s7;
	v1 =	vnsel vm0, $0xC0000000, v1  }
0x6e: {  	(xrf0) =	vmin.scan.msk.u32 $0xffff, v1;
	v1 =	vbroadcast v3, $0x0  }
0x6f: {  	[tilespmem:$0x1900] =	vst v13  }
0x70: {  	s7 =	simm.s32 $0x0;
	[tilespmem:$0x1910] =	vst v1  }
0x71: {  	v1 =	vld.idx.msk [tilespmem:v4+s7+$0x0], $0xffff;
	_ =	sdelay $0x2  }
0x72: {  	v3, _, _ =	vpop (xrf0)  }
0x73: {  	(v2sf) =	vpush v3, $0xF  }
0x74: {  	s8 =	simm.s32 $0x500;
	[tilespmem:$0x1920] =	vst v1  }
0x75: {  	v1 =	vld.idx.msk [tilespmem:v4+s8+$0x0], $0xffff;
	_ =	sdelay $0x4  }
0x76: {  	s9 =	simm.s32 $0xA00;
	[tilespmem:$0x1930] =	vst v1  }
0x77: {  	v1 =	vld.idx.msk [tilespmem:v4+s9+$0x0], $0xffff;
	_ =	sdelay $0x4  }
0x78: {  	vm13 =	vcmask $0x300;
	s10 =	simm.s32 $0xF00;
	v3 =	vimm.s32 $0xB80;
	[tilespmem:$0x1940] =	vst v1  }
0x79: {  	vm12 =	vcmask $0x704;
	v1 =	vsel vm13, $0x0, v3;
	v3 =	vld.idx.msk [tilespmem:v4+s10+$0x0], $0xffff  }
0x7a: {  	vm7 =	vcmask $0xB08;
	v1 =	vsel vm12, $0x80, v1;
	s11 =	spop (v2sf)  }
0x7b: {  	vm8 =	vcmask $0xF0C;
	v1 =	vsel vm7, $0x100, v1;
	s11 =	sxor.u32 $0x80000000, s11  }
0x7c: {  	vm3 =	vcmask $0x1310;
	v1 =	vsel vm8, $0x180, v1;
	v4 =	vmov s11;
	s11 =	sadd.s32 s3, s11  }
0x7d: {  	vm4 =	vcmask $0x1714;
	v1 =	vsel vm3, $0x200, v1;
	v5 =	vmov s11  }
0x7e: {  	vm5 =	vcmask $0x1B18;
	v1 =	vsel vm4, $0x280, v1;
	[tilespmem:$0x1950] =	vst v3;
	v3 =	vbroadcast v5, $0x0  }
0x7f: {  	vm9 =	vcmask $0x1F1C;
	[tilespmem:$0x1980] =	vst v2;
	v1 =	vsel vm5, $0x300, v1  }
0x80: {  	vm10 =	vcmask $0x2320;
	v1 =	vsel vm9, $0x380, v1;
	[tilespmem:$0x1990] =	vst v3  }
0x81: {  	vm11 =	vcmask $0x2724;
	v1 =	vsel vm10, $0x800, v1;
	v2 =	vld.idx.msk [tilespmem:v4+s7+$0x0], $0xffff  }
0x82: {  	vm6 =	vcmask $0x2B28;
	v1 =	vsel vm11, $0x880, v1  }
0x83: {  	vm2 =	vcmask $0x2F2C;
	v1 =	vsel vm6, $0x900, v1  }
0x84: {  	vm1 =	vcmask $0x3330;
	vm0 =	vcmask $0x3734;
	v1 =	vsel vm2, $0x980, v1  }
0x85: {  	v5 =	vimm.s32 $0xF80;
	v3 =	vimm.s32 $0xB90;
	v1 =	vsel vm1, $0xA00, v1  }
0x86: {  	[tilespmem:$0x19A0] =	vst v2;
	v2 =	vsel vm13, $0x10, v3;
	v3 =	vsel vm13, $0x400, v5;
	v5 =	vimm.s32 $0xF90  }
0x87: {  	v8 =	vlaneseq.u32;
	v1 =	vsel vm0, $0xA80, v1;
	v5 =	vsel vm13, $0x410, v5;
	v6 =	vld.idx.msk [tilespmem:v4+s8+$0x0], $0xffff  }
0x88: {  	v2 =	vsel vm12, $0x90, v2;
	v3 =	vsel vm12, $0x480, v3;
	v5 =	vsel vm12, $0x490, v5  }
0x89: {  	vm12 =	vcmask $0x3B38;
	v2 =	vsel vm7, $0x110, v2;
	v3 =	vsel vm7, $0x500, v3  }
0x8a: {  	v1 =	vsel vm12, $0xB00, v1;
	v2 =	vsel vm8, $0x190, v2;
	v3 =	vsel vm8, $0x580, v3  }
0x8b: {  	v5 =	vsel vm7, $0x510, v5;
	v2 =	vsel vm3, $0x210, v2;
	v3 =	vsel vm3, $0x600, v3  }
0x8c: {  	p0 =	sne.s32 s1, $0x0;
	v5 =	vsel vm8, $0x590, v5;
	v2 =	vsel vm4, $0x290, v2;
	v3 =	vsel vm4, $0x680, v3;
	[tilespmem:$0x19B0] =	vst v6  }
0x8d: {  	v5 =	vsel vm3, $0x610, v5;
	vm3 =	vcmask @!p0 $0x3F08;
	v2 =	vsel vm5, $0x310, v2;
	v6 =	vld.idx.msk [tilespmem:v4+s9+$0x0], $0xffff  }
0x8e: {  	v3 =	vsel vm5, $0x700, v3;
	v5 =	vsel vm4, $0x690, v5;
	v2 =	vsel vm9, $0x390, v2  }
0x8f: {  	v3 =	vsel vm9, $0x780, v3;
	v5 =	vsel vm5, $0x710, v5;
	v2 =	vsel vm10, $0x810, v2  }
0x90: {  	v3 =	vsel vm10, $0xC00, v3;
	v5 =	vsel vm9, $0x790, v5;
	v2 =	vsel vm11, $0x890, v2  }
0x91: {  	v3 =	vsel vm11, $0xC80, v3;
	v5 =	vsel vm10, $0xC10, v5;
	v2 =	vsel vm6, $0x910, v2  }
0x92: {  	v3 =	vsel vm6, $0xD00, v3;
	v5 =	vsel vm11, $0xC90, v5;
	v2 =	vsel vm2, $0x990, v2;
	[tilespmem:$0x19C0] =	vst v6  }
0x93: {  	v3 =	vsel vm2, $0xD80, v3;
	v5 =	vsel vm6, $0xD10, v5;
	v2 =	vsel vm1, $0xA10, v2;
	v7 =	vld.idx.msk [tilespmem:v4+s10+$0x0], $0xffff  }
0x94: {  	v3 =	vsel vm1, $0xE00, v3;
	v6 =	vimm.s32 $0x0;
	v4 =	vsel vm2, $0xD90, v5  }
0x95: {  	v2 =	vsel vm0, $0xA90, v2;
	v3 =	vsel vm0, $0xE80, v3;
	v5 =	vimm.s32 $0x80000000  }
0x96: {  	s12 =	simm.s32 $0x400;
	vm2 =	vcmask @!p0 $0x3F0C;
	v4 =	vsel vm1, $0xE10, v4;
	v2 =	vsel vm12, $0xB10, v2  }
0x97: {  	s13 =	simm.s32 $0x1900;
	s14 =	simm.s32 $0x1;
	s15 =	simm.s32 $0x1A00;
	v3 =	vsel vm12, $0xF00, v3;
	vm1 =	vcmask @!p0 $0x3F10;
	v4 =	vsel vm0, $0xE90, v4  }
0x98: {  	s16 =	simm.s32 $0x0;
	s17 =	simm.s32 $0x0;
	s11 =	simm.s32 $0x80;
	vm0 =	vcmask @!p0 $0x3F14;
	v4 =	vsel vm12, $0xF10, v4;
	[tilespmem:$0x19D0] =	vst v7;
	v7 =	vimm.f32 $1.000000000e+00  }
.LBB2_4:
0x99: {  	s18 =	sshll.u32 s16, $0xC  }
0x9a: {  	s18 =	sand.u32 $0x1000, s18  }
0x9b: {  	s18 =	sadd.s32 s18, s2  }
0x9c: {  	s19 =	sadd.s32 s5, s18  }
0x9d: {  	s19 =	sadd.s32 s6, s19  }
0x9e: {  	[spmem:s19] =	stream.strided.scatter [tilespmem:s13], [sflag:$0x1], $0x100, s12, s11, $0x38;
	[tilespmem:$0x3F00] =	vst v63  }
0x9f: {  	_ =	swait.ge [sflag:s14], $0x100  }
0xa0: {  	[sflag:s14] =	ssyncset.done $0x0  }
0xa1: {  	[sflag:s14] =	ssyncadd.s32 $0xFFFFFF00  }
0xa2: {  	[bflag:$0x0] =	sbarrier.arrive $0xFFFF  }
0xa3: {  	[tilespmem:s15], [sflag:$0x1] =	stream.linear.gather [spmem:s18], $0x1000, $0x38;
	[tilespmem:$0x3F00] =	vst v63  }
0xa4: {  	_ =	swait.ge [sflag:s14], $0x1000  }
0xa5: {  	[sflag:s14] =	ssyncset.done $0x0  }
0xa6: {  	[sflag:s14] =	ssyncadd.s32 $0xFFFFF000  }
0xa7: {  	v10 =	vld.idx.msk [tilespmem:v1+s15+$0x0], $0xffff;
	_ =	sdelay $0x4  }
0xa8: {  	(xrf0) =	vmax.scan.msk.f32 $0xffff, v10;
	_ =	sdelay $0x3  }
0xa9: {  	v11 =	vld.idx.msk [tilespmem:v2+s15+$0x0], $0xffff;
	_ =	sdelay $0x1  }
0xaa: {  	v9, _, _ =	vpop (xrf0)  }
0xab: {  	v9 =	vbroadcast v9, $0xF;
	_ =	sdelay $0x1  }
0xac: {  	vm4 =	veq.f32 v10, v9;
	v9 =	vxor.u32 $0x80000000, v11  }
0xad: {  	v9 =	vnsel vm4, $0xC0000000, v9  }
0xae: {  	(xrf0) =	vmin.scan.msk.u32 $0xffff, v9;
	_ =	sdelay $0x5  }
0xaf: {  	v9, _, _ =	vpop (xrf0)  }
0xb0: {  	(v2sf) =	vpush v9, $0xF;
	_ =	sdelay $0xd  }
0xb1: {  	v12 =	vld.idx.msk [tilespmem:v3+s15+$0x0], $0xffff  }
0xb2: {  	s23 =	spop (v2sf)  }
0xb3: {  	s18 =	sxor.u32 $0x80000000, s23  }
0xb4: {  	v9 =	vmov s18  }
0xb5: {  	vm4 =	veq.s32 v9, v11  }
0xb6: {  	v10 =	vsel vm4, v12, v10  }
0xb7: {  	(xrf0) =	vmax.scan.msk.f32 $0xffff, v10;
	_ =	sdelay $0x2  }
0xb8: {  	v12 =	vld.idx.msk [tilespmem:v4+s15+$0x0], $0xffff;
	_ =	sdelay $0x2  }
0xb9: {  	v13, _, _ =	vpop (xrf0)  }
0xba: {  	v13 =	vbroadcast v13, $0xF  }
0xbb: {  	v11 =	vsel vm4, v12, v11  }
0xbc: {  	vm5 =	veq.f32 v10, v13;
	v10 =	vxor.u32 $0x80000000, v11  }
0xbd: {  	v10 =	vnsel vm5, $0xC0000000, v10  }
0xbe: {  	(xrf0) =	vmin.scan.msk.u32 $0xffff, v10;
	_ =	sdelay $0x5  }
0xbf: {  	v10, _, _ =	vpop (xrf0)  }
0xc0: {  	(v2sf) =	vpush v10, $0xF;
	_ =	sdelay $0xe  }
0xc1: {  	s24 =	spop (v2sf)  }
0xc2: {  	s18 =	sxor.u32 $0x80000000, s24  }
0xc3: {  	v10 =	vmov s18  }
0xc4: {  	vm5 =	veq.s32 v10, v11;
	v10 =	vsel vm4, $0x80000080, v5  }
0xc5: {  	v10 =	vnsel vm5, $0xC0000000, v10  }
0xc6: {  	(xrf0) =	vmin.scan.msk.u32 $0xffff, v10;
	_ =	sdelay $0x3  }
0xc7: {  	v10 =	vmctz.xlane vm4;
	_ =	sdelay $0x1  }
0xc8: {  	v11 =	vshll.u32 v10, $0x8;
	v10 =	vshll.u32 v10, $0x7;
	v12, _, _ =	vpop (xrf0)  }
0xc9: {  	v11 =	vand.u32 $0xFFFFF800, v11;
	v10 =	vand.u32 $0x380, v10;
	v15 =	vbroadcast v12, $0xF  }
0xca: {  	v16 =	vor.u32 v10, v11;
	v10 =	vmctz.xlane vm5  }
0xcb: {  	v11 =	vor.u32 $0x20, v16;
	v14 =	vor.u32 $0x40, v16;
	v13 =	vadd.s32 $0x20, v15  }
0xcc: {  	v17 =	vshll.u32 v10, $0x8;
	v10 =	vshll.u32 v10, $0x7;
	v18 =	vshll.u32 v13, $0x3  }
0xcd: {  	v12 =	vor.u32 $0x30, v16;
	v17 =	vand.u32 $0xFFFFF800, v17;
	v18 =	vand.u32 $0xFFFFFC00, v18  }
0xce: {  	v19 =	vadd.s32 $0x30, v15;
	v13 =	vand.u32 $0x7F, v13;
	v18 =	vadd.s32 v17, v18  }
0xcf: {  	v20 =	vand.u32 $0x380, v10;
	v10 =	vor.u32 v13, v18;
	v13 =	vshll.u32 v19, $0x3  }
0xd0: {  	v22 =	vadd.s32 $0x50, v15;
	v21 =	vor.u32 v20, v10;
	v10 =	vand.u32 $0xFFFFFC00, v13  }
0xd1: {  	v13 =	vand.u32 $0x7F, v19;
	v19 =	vadd.s32 $0x40, v15;
	v10 =	vadd.s32 v17, v10  }
0xd2: {  	v18 =	vor.u32 $0x50, v16;
	v10 =	vor.u32 v13, v10;
	v13 =	vshll.u32 v19, $0x3  }
0xd3: {  	v23 =	vor.u32 v20, v10;
	v10 =	vand.u32 $0xFFFFFC00, v13;
	v13 =	vshll.u32 v22, $0x3  }
0xd4: {  	v19 =	vand.u32 $0x7F, v19;
	v24 =	vadd.s32 v17, v10;
	v13 =	vand.u32 $0xFFFFFC00, v13  }
0xd5: {  	v22 =	vand.u32 $0x7F, v22;
	v10 =	vld.idx.msk [tilespmem:v11+s15+$0x0], $0xffff;
	v19 =	vor.u32 v19, v24;
	v13 =	vadd.s32 v17, v13  }
0xd6: {  	v11 =	vld.idx.msk [tilespmem:v12+s15+$0x0], $0xffff;
	v19 =	vor.u32 v20, v19;
	v13 =	vor.u32 v22, v13  }
0xd7: {  	v12 =	vld.idx.msk [tilespmem:v14+s15+$0x0], $0xffff;
	v14 =	vor.u32 v20, v13  }
0xd8: {  	v13 =	vld.idx.msk [tilespmem:v18+s15+$0x0], $0xffff  }
0xd9: {  	v18 =	vld.idx.msk [tilespmem:v21+s15+$0x0], $0xffff  }
0xda: {  	v21 =	vld.idx.msk [tilespmem:v23+s15+$0x0], $0xffff  }
0xdb: {  	v19 =	vld.idx.msk [tilespmem:v19+s15+$0x0], $0xffff  }
0xdc: {  	v22 =	vld.idx.msk [tilespmem:v14+s15+$0x0], $0xffff;
	_ =	sdelay $0x2  }
0xdd: {  	v14 =	vsub.f32 v12, v10;
	v23 =	vsub.f32 v13, v11  }
0xde: {  	v24 =	vmax.f32 v10, v18;
	v25 =	vmax.f32 v11, v21;
	v26 =	vmin.f32 v12, v19  }
0xdf: {  	v28 =	vsub.f32 v19, v18;
	v27 =	vmin.f32 v13, v22;
	v29 =	vsub.f32 v22, v21  }
0xe0: {  	v24 =	vsub.f32 v26, v24;
	v25 =	vsub.f32 v27, v25  }
0xe1: {  	v14 =	vmul.f32 v23, v14;
	v23 =	vmul.f32 v29, v28  }
0xe2: {  	v24 =	vmax.f32 v24, $0.0e+00;
	v25 =	vmax.f32 v25, $0.0e+00  }
0xe3: {  	v24 =	vmul.f32 v25, v24;
	v23 =	vadd.f32 v23, v14;
	_ =	sdelay $0x1  }
0xe4: {  	v23 =	vsub.f32 v23, v24;
	_ =	sdelay $0x1  }
0xe5: {  	v23 =	vadd.f32 $9.999999710e-10, v23;
	_ =	sdelay $0x1  }
0xe6: {  	(erf) = vrcp.f32 v23;
	_ =	sdelay $0x8  }
0xe7: {  	v23 =	vpop (erf)  }
0xe8: {  	v23 =	vmul.f32 v23, v24;
	_ =	sdelay $0x1  }
0xe9: {  	vm4 =	vgt.f32 v23, $4.499999880e-01  }
0xea: {  	v23 =	vsel vm4, $0x1, v6  }
0xeb: {  	v23 =	vor.u32 $0x80000000, v23  }
0xec: {  	(xrf0) =	vmax.scan.msk.u32 $0xffff, v23;
	_ =	sdelay $0x5  }
0xed: {  	v23, _, _ =	vpop (xrf0)  }
0xee: {  	(v2sf) =	vpush v23, $0xF;
	_ =	sdelay $0x4  }
0xef: {  	v23 =	vshll.u32 v15, $0x3  }
0xf0: {  	v23 =	vand.u32 $0xFFFFFC00, v23  }
0xf1: {  	v15 =	vand.u32 $0x7F, v15;
	v17 =	vadd.s32 v17, v23  }
0xf2: {  	v15 =	vor.u32 v15, v17  }
0xf3: {  	v15 =	vor.u32 v20, v15;
	_ =	sdelay $0x1  }
0xf4: {  	v16 =	vld.idx.msk [tilespmem:v16+s15+$0x0], $0xffff;
	_ =	sdelay $0x2  }
0xf5: {  	v15 =	vld.idx.msk [tilespmem:v15+s15+$0x0], $0xffff  }
0xf6: {  	s19 =	spop (v2sf)  }
0xf7: {  	vm6 =	vmmov @!p0 $0x1;
	v17 =	vsel @!p0 vm0, $0x0, v16;
	p1 =	sne.s32 @!p0 s19, $0x80000000  }
0xf8: {  	vm5 =	vgt.f32 @!p0 v16, $-Inf;
	vm4 =	vlt.f32 @!p0 v16, $-Inf;
	v17 =	vsel @!p0 vm1, v17, v13;
	p1 =	por p1, p0  }
0xf9: {  	vm4 =	vmor @!p0 vm5, vm4;
	v16 =	vsel @!p0 vm2, v17, v12;
	vm5 =	vcmask @!p1 $0x3F14  }
0xfa: {  	v16 =	vsel @!p0 vm3, v16, v11;
	v17 =	vsel @!p1 vm5, $0x0, v15;
	vm5 =	vcmask @!p1 $0x3F10  }
0xfb: {  	v16 =	vsel @!p0 vm6, v10, v16;
	v17 =	vsel @!p1 vm5, v17, v22;
	vm5 =	vcmask @!p1 $0x3F0C  }
0xfc: {  	vm6 =	vlt.f32 @!p1 v15, $-Inf;
	v17 =	vsel @!p1 vm5, v17, v19;
	vm5 =	vcmask @!p1 $0x3F08  }
0xfd: {  	s20 =	sshll.u32 @!p0 s17, $0x4;
	vm7 =	vgt.f32 @!p1 v15, $-Inf;
	v15 =	vsel @!p1 vm5, v17, v21;
	vm5 =	vmmov @!p1 $0x1  }
0xfe: {  	s20 =	sand.u32 @!p0 $0x3FFFFFF0, s20;
	v16 =	vnsel @!p0 vm4, $0x0, v16;
	vm4 =	vmor @!p1 vm7, vm6;
	v15 =	vsel @!p1 vm5, v18, v15  }
0xff: {  	[tilespmem:s20+$0x2A00] =	vst @!p0 v16;
	v15 =	vnsel @!p1 vm4, $0x0, v15  }
0x100: {  	s25 =	simm.s32 $0x10;
	[tilespmem:s20+$0x2A10] =	vst @!p1 v15  }
0x101: {  	s21 =	simm.s32 $0x510;
	v20 =	vld [tilespmem:s25+$0xFFFFFFF0]  }
0x102: {  	s26 =	simm.s32 $0xF10;
	v23 =	vld [tilespmem:s21+$0x0]  }
0x103: {  	p1 =	seq.s32 s19, $0x80000000;
	v25 =	vld [tilespmem:s26+$0xFFFFFFF0]  }
0x104: {  	s22 =	simm.s32 $0xA10;
	v24 =	vpsel !p1, $0x0, v7;
	v26 =	vld [tilespmem:s25+$0x0]  }
0x105: {  	v27 =	vld [tilespmem:s22+$0x0];
	v15 =	vmul.f32 v24, v18;
	v16 =	vmul.f32 v24, v21  }
0x106: {  	v34 =	vld [tilespmem:s26+$0x0];
	v17 =	vmul.f32 v24, v19;
	v18 =	vmul.f32 v24, v22  }
0x107: {  	v21 =	vld [tilespmem:s22+$0xFFFFFFF0]  }
0x108: {  	v22 =	vld [tilespmem:s21+$0xFFFFFFF0];
	v19 =	vsub.f32 v17, v15;
	v24 =	vsub.f32 v18, v16;
	_ =	sdelay $0x1  }
0x109: {  	v19 =	vmul.f32 v24, v19;
	v24 =	vmax.f32 v10, v20  }
0x10a: {  	v28 =	vmax.f32 v11, v23;
	v31 =	vmax.f32 v16, v23;
	v32 =	vmin.f32 v13, v25  }
0x10b: {  	v35 =	vsub.f32 v27, v26;
	v37 =	vmin.f32 v17, v27;
	v23 =	vsub.f32 v34, v23  }
0x10c: {  	v29 =	vsub.f32 v21, v20;
	v30 =	vsub.f32 v25, v22;
	v33 =	vmax.f32 v11, v22  }
0x10d: {  	v20 =	vmax.f32 v15, v20;
	v25 =	vmin.f32 v18, v25;
	v56 =	vmin.f32 v17, v21  }
0x10e: {  	v21 =	vmin.f32 v12, v21;
	v22 =	vmax.f32 v16, v22;
	v32 =	vsub.f32 v32, v33  }
0x10f: {  	v21 =	vsub.f32 v21, v24;
	v24 =	vmin.f32 v18, v34;
	v20 =	vsub.f32 v56, v20  }
0x110: {  	v22 =	vsub.f32 v25, v22;
	v25 =	vmin.f32 v12, v27;
	v23 =	vmul.f32 v23, v35  }
0x111: {  	v29 =	vmul.f32 v30, v29;
	v30 =	vmax.f32 v10, v26;
	v26 =	vmax.f32 v15, v26  }
0x112: {  	v24 =	vsub.f32 v24, v31;
	v32 =	vmax.f32 v32, $0.0e+00;
	v21 =	vmax.f32 v21, $0.0e+00  }
0x113: {  	v20 =	vmax.f32 v20, $0.0e+00;
	v36 =	vadd.f32 v29, v14;
	v21 =	vmul.f32 v32, v21  }
0x114: {  	v22 =	vmax.f32 v22, $0.0e+00;
	v26 =	vsub.f32 v37, v26;
	v29 =	vadd.f32 v29, v19  }
0x115: {  	v22 =	vmul.f32 v22, v20;
	v20 =	vmin.f32 v13, v34;
	v27 =	vsub.f32 v36, v21  }
0x116: {  	v25 =	vsub.f32 v25, v30;
	v24 =	vmax.f32 v24, $0.0e+00;
	v20 =	vsub.f32 v20, v28  }
0x117: {  	s29 =	simm.s32 $0x530;
	v26 =	vmax.f32 v26, $0.0e+00;
	v28 =	vsub.f32 v29, v22;
	v27 =	vadd.f32 $9.999999710e-10, v27  }
0x118: {  	s28 =	simm.s32 $0x30;
	v59 =	vld [tilespmem:s29+$0xFFFFFFF0];
	v25 =	vmax.f32 v25, $0.0e+00;
	v24 =	vmul.f32 v24, v26;
	v26 =	vadd.f32 v23, v19  }
0x119: {  	s31 =	simm.s32 $0xA30;
	v60 =	vld [tilespmem:s28+$0x0];
	v20 =	vmax.f32 v20, $0.0e+00;
	v28 =	vadd.f32 $9.999999710e-10, v28;
	(erf) = vrcp.f32 v27  }
0x11a: {  	v38 =	vld [tilespmem:s31+$0x0];
	v27 =	vmul.f32 v20, v25;
	v20 =	vadd.f32 v23, v14;
	v23 =	vsub.f32 v26, v24  }
0x11b: {  	(erf) = vrcp.f32 v28  }
0x11c: {  	v20 =	vsub.f32 v20, v27;
	v23 =	vadd.f32 $9.999999710e-10, v23  }
0x11d: {  	s30 =	simm.s32 $0xF30;
	v41 =	vmax.f32 v11, v59;
	v26 =	vld [tilespmem:s29+$0x0]  }
0x11e: {  	v48 =	vmax.f32 v10, v60;
	v28 =	vld [tilespmem:s30+$0xFFFFFFF0];
	v20 =	vadd.f32 $9.999999710e-10, v20;
	(erf) = vrcp.f32 v23  }
0x11f: {  	v49 =	vsub.f32 v38, v60;
	v42 =	vmin.f32 v17, v38;
	v29 =	vor.u32 s7, v8  }
0x120: {  	v52 =	vmax.f32 v16, v59;
	v31 =	vadd.s32 v0, v29;
	(erf) = vrcp.f32 v20  }
0x121: {  	s18 =	simm.s32 @!p1 $0xFFFFFFFF;
	v33 =	vmax.f32 v15, v60;
	vm6 =	veq.s32 v31, v9;
	v25 =	vimm.f32 $-Inf;
	v23 =	vld [tilespmem:s28+$0xFFFFFFF0]  }
0x122: {  	v57 =	vld [tilespmem:s31+$0xFFFFFFF0];
	v61 =	vmax.f32 v11, v26;
	v62 =	vmax.f32 v16, v26;
	v20 =	vmov s18  }
0x123: {  	s23 =	simm.s32 $0x10;
	v63 =	vmin.f32 v18, v28;
	v40 =	vmin.f32 v13, v28;
	v28 =	vsub.f32 v28, v59;
	v30 =	vpop (erf)  }
0x124: {  	vm7 =	veq.s32 v31, v20;
	v21 =	vmul.f32 v30, v21;
	v30 =	vor.u32 s23, v8;
	v58 =	vpop (erf)  }
0x125: {  	s28 =	simm.s32 $0x550;
	v40 =	vsub.f32 v40, v41;
	v31 =	vadd.s32 v0, v30;
	v22 =	vmul.f32 v58, v22  }
0x126: {  	s26 =	simm.s32 $0x50;
	v41 =	vld [tilespmem:s28+$0xFFFFFFF0];
	vm8 =	vgt.f32 v21, $4.499999880e-01;
	v21 =	vmax.f32 v10, v23;
	vm4 =	veq.s32 v31, v20  }
0x127: {  	v58 =	vld [tilespmem:s26+$0xFFFFFFF0];
	vm9 =	vgt.f32 v22, $4.499999880e-01;
	v22 =	vmax.f32 v15, v23;
	v23 =	vsub.f32 v57, v23;
	v39 =	vpop (erf)  }
0x128: {  	vm5 =	veq.s32 v31, v9;
	v31 =	vld [tilespmem:s30+$0x0];
	v24 =	vmul.f32 v39, v24;
	vm8 =	vmor vm8, vm9  }
0x129: {  	v47 =	vpop (erf);
	v23 =	vmul.f32 v28, v23;
	v28 =	vmin.f32 v17, v57;
	vm6 =	vmor vm6, vm8  }
0x12a: {  	v27 =	vmul.f32 v47, v27;
	vm10 =	vgt.f32 v24, $4.499999880e-01;
	v24 =	vmax.f32 v40, $0.0e+00  }
0x12b: {  	vm6 =	vmor vm7, vm6;
	v22 =	vsub.f32 v28, v22;
	v28 =	vmin.f32 v12, v57  }
0x12c: {  	v37 =	vmax.f32 v10, v58;
	v45 =	vmax.f32 v15, v58;
	v47 =	vmax.f32 v11, v41  }
0x12d: {  	v39 =	vld [tilespmem:s28+$0x0];
	v50 =	vadd.f32 v23, v14;
	v23 =	vadd.f32 v23, v19;
	v43 =	vmin.f32 v13, v31  }
0x12e: {  	v44 =	vmin.f32 v18, v31;
	v26 =	vsub.f32 v31, v26;
	v21 =	vsub.f32 v28, v21  }
0x12f: {  	v31 =	vmin.f32 v12, v38;
	v28 =	vsub.f32 v42, v33;
	v36 =	vsub.f32 v44, v62  }
0x130: {  	s24 =	simm.s32 $0x1410;
	vm7 =	vgt.f32 v27, $4.499999880e-01;
	v27 =	vsub.f32 v31, v48;
	v31 =	vsub.f32 v43, v61  }
0x131: {  	v51 =	vld [tilespmem:s24+$0x0];
	s29 =	simm.s32 $0xF50;
	v22 =	vmax.f32 v22, $0.0e+00;
	vm7 =	vmor vm7, vm10;
	v21 =	vmax.f32 v21, $0.0e+00  }
0x132: {  	v61 =	vld [tilespmem:s29+$0xFFFFFFF0];
	v26 =	vmul.f32 v26, v49;
	v43 =	vmax.f32 v11, v39;
	v27 =	vmax.f32 v27, $0.0e+00  }
0x133: {  	v48 =	vld [tilespmem:s29+$0x0];
	v31 =	vmax.f32 v31, $0.0e+00;
	v24 =	vmul.f32 v24, v21;
	v21 =	vsub.f32 v63, v52  }
0x134: {  	v53 =	vld [tilespmem:s24+$0xFFFFFFF0];
	v54 =	vmax.f32 v36, $0.0e+00;
	vm5 =	vmor vm5, vm7;
	v52 =	vmax.f32 v16, v39  }
0x135: {  	v35 =	vmul.f32 v31, v27;
	vm4 =	vmor vm4, vm5;
	v27 =	vsub.f32 v50, v24  }
0x136: {  	s25 =	simm.s32 $0x20;
	v21 =	vmax.f32 v21, $0.0e+00;
	v31 =	vsel vm4, $0xFF800000, v51;
	vm4 =	vlt.s32 v29, v8  }
0x137: {  	v55 =	vmul.f32 v21, v22;
	v21 =	vmax.f32 v28, $0.0e+00;
	v28 =	vor.u32 s25, v8  }
0x138: {  	v40 =	vsub.f32 v61, v41;
	v39 =	vsub.f32 v48, v39;
	v41 =	vmax.f32 v16, v41  }
0x139: {  	v22 =	vadd.f32 $9.999999710e-10, v27;
	v27 =	vsel vm6, $0xFF800000, v53;
	v56 =	vmul.f32 v54, v21  }
0x13a: {  	v54 =	vmin.f32 v13, v61;
	v21 =	vsub.f32 v23, v55;
	v23 =	vadd.f32 v26, v19  }
0x13b: {  	vm5 =	vgt.f32 v27, v25;
	vm6 =	veq.f32 v27, v25;
	v26 =	vadd.f32 v26, v14  }
0x13c: {  	(erf) = vrcp.f32 v22;
	vm6 =	vmand vm4, vm6;
	v21 =	vadd.f32 $9.999999710e-10, v21  }
0x13d: {  	v22 =	vsub.f32 v23, v56;
	v23 =	vadd.s32 v0, v28;
	vm6 =	vmor vm5, vm6  }
0x13e: {  	v38 =	vsub.f32 v54, v47;
	vm4 =	veq.s32 v23, v9;
	v57 =	vsel vm6, v29, v8  }
0x13f: {  	v29 =	vsel vm6, v8, v29;
	v60 =	vsel vm6, v25, v27;
	(erf) = vrcp.f32 v21  }
0x140: {  	v21 =	vadd.f32 $9.999999710e-10, v22;
	v22 =	vsub.f32 v26, v35;
	v26 =	vsel vm6, v27, v25  }
0x141: {  	v63 =	vld [tilespmem:s26+$0x0];
	vm7 =	vlt.s32 v30, v57;
	vm6 =	veq.f32 v60, v25;
	vm5 =	veq.f32 v31, v26  }
0x142: {  	vm9 =	vgt.f32 v60, v25;
	vm8 =	vgt.f32 v31, v26;
	vm7 =	vmand vm7, vm5  }
0x143: {  	s30 =	simm.s32 $0xA50;
	(erf) = vrcp.f32 v21;
	v22 =	vadd.f32 $9.999999710e-10, v22;
	vm7 =	vmor vm8, vm7  }
0x144: {  	v46 =	vld [tilespmem:s30+$0x0];
	vm5 =	veq.s32 v23, v20;
	v21 =	vsel vm7, v31, v26;
	v36 =	vsel vm7, v30, v57  }
0x145: {  	v23 =	vsel vm7, v26, v31;
	v59 =	vpop (erf);
	(erf) = vrcp.f32 v22;
	v22 =	vsel vm7, v57, v30  }
0x146: {  	s23 =	simm.s32 $0x30;
	vm7 =	vlt.s32 v29, v8;
	v57 =	vmax.f32 v10, v63;
	v26 =	vmul.f32 v59, v24  }
0x147: {  	v30 =	vld [tilespmem:s30+$0xFFFFFFF0];
	v24 =	vor.u32 s23, v8;
	vm7 =	vmand vm6, vm7;
	v59 =	vmax.f32 v38, $0.0e+00  }
0x148: {  	vm7 =	vmor vm9, vm7;
	vm8 =	vgt.f32 v26, $4.499999880e-01;
	v26 =	vadd.s32 v0, v24  }
0x149: {  	v62 =	vpop (erf);
	v25 =	vsel vm7, v60, v25;
	v60 =	vsub.f32 v46, v63;
	v63 =	vmax.f32 v15, v63  }
0x14a: {  	v29 =	vsel vm7, v29, v8;
	v33 =	vmul.f32 v62, v55;
	vm6 =	veq.s32 v26, v20  }
0x14b: {  	v55 =	vmin.f32 v18, v61;
	vm10 =	veq.s32 v26, v9;
	v61 =	vmin.f32 v18, v48  }
0x14c: {  	v62 =	vmin.f32 v17, v46;
	v48 =	vmin.f32 v13, v48;
	v34 =	vsub.f32 v30, v58  }
0x14d: {  	v58 =	vmin.f32 v17, v30;
	v44 =	vsub.f32 v61, v52;
	v51 =	vsub.f32 v62, v63  }
0x14e: {  	v53 =	vpop (erf);
	v30 =	vmin.f32 v12, v30;
	v52 =	vsub.f32 v48, v43;
	v55 =	vsub.f32 v55, v41  }
0x14f: {  	v38 =	vmul.f32 v39, v60;
	vm9 =	vgt.f32 v33, $4.499999880e-01;
	v32 =	vmul.f32 v53, v56  }
0x150: {  	v30 =	vsub.f32 v30, v37;
	v34 =	vmul.f32 v40, v34;
	vm8 =	vmor vm8, vm9  }
0x151: {  	v40 =	vsub.f32 v58, v45;
	v44 =	vmax.f32 v44, $0.0e+00;
	v42 =	vmax.f32 v52, $0.0e+00;
	v56 =	vpop (erf)  }
0x152: {  	vm9 =	vgt.f32 v32, $4.499999880e-01;
	vm4 =	vmor vm4, vm8;
	v26 =	vmul.f32 v56, v35  }
0x153: {  	v30 =	vmax.f32 v30, $0.0e+00;
	v32 =	vmax.f32 v55, $0.0e+00;
	vm5 =	vmor vm5, vm4  }
0x154: {  	v49 =	vadd.f32 v34, v14;
	vm4 =	vgt.f32 v26, $4.499999880e-01;
	v26 =	vmin.f32 v12, v46  }
0x155: {  	s31 =	simm.s32 $0x1430;
	v50 =	vadd.f32 v34, v19;
	v34 =	vmul.f32 v59, v30;
	v26 =	vsub.f32 v26, v57  }
0x156: {  	v54 =	vld [tilespmem:s31+$0xFFFFFFF0];
	v59 =	vadd.f32 v38, v19;
	v38 =	vadd.f32 v38, v14;
	v56 =	vmax.f32 v51, $0.0e+00  }
0x157: {  	v33 =	vmul.f32 v44, v56;
	vm4 =	vmor vm4, vm9;
	v26 =	vmax.f32 v26, $0.0e+00  }
0x158: {  	v53 =	vld [tilespmem:s31+$0x0];
	vm9 =	veq.f32 v23, v25;
	v30 =	vmul.f32 v42, v26;
	v26 =	vsub.f32 v49, v34  }
0x159: {  	v57 =	vmax.f32 v40, $0.0e+00;
	v37 =	vsub.f32 v59, v33;
	vm4 =	vmor vm10, vm4  }
0x15a: {  	vm10 =	vlt.s32 v22, v29;
	v35 =	vmul.f32 v32, v57;
	v26 =	vadd.f32 $9.999999710e-10, v26  }
0x15b: {  	v32 =	vsel vm5, $0xFF800000, v54;
	vm5 =	vlt.s32 v28, v36;
	vm6 =	vmor vm6, vm4  }
0x15c: {  	vm4 =	vgt.f32 v23, v25;
	v60 =	vsub.f32 v50, v35;
	(erf) = vrcp.f32 v26  }
0x15d: {  	vm7 =	vgt.f32 v32, v21;
	v58 =	vsel vm6, $0xFF800000, v53;
	vm6 =	veq.f32 v32, v21  }
0x15e: {  	v62 =	vadd.f32 $9.999999710e-10, v37;
	vm8 =	vmand vm5, vm6;
	v39 =	vadd.f32 $9.999999710e-10, v60  }
0x15f: {  	vm9 =	vmand vm9, vm10;
	vm7 =	vmor vm7, vm8;
	v38 =	vsub.f32 v38, v30  }
0x160: {  	s19 =	simm.s32 $0x40;
	v63 =	vsel vm7, v32, v21;
	v37 =	vsel vm7, v28, v36;
	(erf) = vrcp.f32 v39  }
0x161: {  	[tilespmem:s24+$0x0] =	vst v31;
	v31 =	vsel vm7, v36, v28;
	v26 =	vor.u32 s19, v8;
	vm8 =	veq.f32 v58, v63  }
0x162: {  	vm11 =	vlt.s32 v24, v37;
	v38 =	vadd.f32 $9.999999710e-10, v38;
	(erf) = vrcp.f32 v62  }
0x163: {  	[tilespmem:s24+$0xFFFFFFF0] =	vst v27;
	vm12 =	vgt.f32 v58, v63;
	v61 =	vadd.s32 v0, v26;
	vm8 =	vmand vm11, vm8  }
0x164: {  	s20 =	simm.s32 $0x4;
	s21 =	simm.s32 $0x70;
	s22 =	simm.s32 $0x570;
	[tilespmem:s31+$0xFFFFFFF0] =	vst v32;
	vm6 =	veq.s32 v61, v9;
	vm5 =	veq.s32 v61, v20;
	vm8 =	vmor vm12, vm8  }
0x165: {  	s18 =	simm.s32 $0x1450;
	s24 =	simm.s32 $0xF70;
	s23 =	simm.s32 $0xA70;
	[tilespmem:s31+$0x0] =	vst v58;
	v28 =	vsel vm8, v58, v63;
	v27 =	vsel vm8, v24, v37;
	v36 =	vsel vm8, v63, v58;
	v39 =	vpop (erf)  }
.LBB2_5:
0x166: {  	v40 =	vld [tilespmem:s21+$0xFFFFFFF0];
	s20 =	sadd.s32 $0x2, s20;
	(erf) = vrcp.f32 v38;
	v37 =	vsel vm8, v37, v24;
	vm4 =	vmor vm4, vm9  }
0x167: {  	v34 =	vmul.f32 v39, v34;
	s25 =	sadd.s32 $0x10, s19;
	v32 =	vsel vm7, v21, v32;
	v21 =	vmovc v28;
	v38 =	vld [tilespmem:s22+$0x0];
	p2 =	slt.u32 s20, $0x4E;
	v25 =	vsel vm4, v23, v25  }
0x168: {  	v24 =	vor.u32 s25, v8;
	v29 =	vsel vm4, v22, v29;
	v22 =	vmovc v37;
	v23 =	vmovc v36;
	v39 =	vld [tilespmem:s24+$0xFFFFFFF0];
	vm7 =	veq.f32 v32, v25  }
0x169: {  	vm9 =	vgt.f32 v34, $4.499999880e-01;
	v34 =	vadd.s32 v0, v24;
	vm4 =	vlt.s32 v31, v29;
	v36 =	vld [tilespmem:s23+$0xFFFFFFF0];
	v37 =	vpop (erf)  }
0x16a: {  	vm8 =	vgt.f32 v32, v25;
	vm7 =	vmand vm7, vm4;
	v41 =	vld [tilespmem:s22+$0xFFFFFFF0];
	v35 =	vmul.f32 v37, v35  }
0x16b: {  	vm4 =	veq.s32 v34, v20;
	vm7 =	vmor vm8, vm7;
	v37 =	vmax.f32 v10, v40;
	v42 =	vld [tilespmem:s21+$0x0];
	v43 =	vpop (erf)  }
0x16c: {  	v44 =	vmax.f32 v11, v38;
	v45 =	vmax.f32 v16, v38;
	vm10 =	vgt.f32 v35, $4.499999880e-01  }
0x16d: {  	v25 =	vsel vm7, v32, v25;
	v35 =	vmax.f32 v15, v40;
	v46 =	vmin.f32 v18, v39;
	v47 =	vld [tilespmem:s23+$0x0]  }
0x16e: {  	vm8 =	veq.s32 v34, v9;
	v32 =	vsub.f32 v36, v40;
	v40 =	vmin.f32 v13, v39  }
0x16f: {  	v33 =	vmul.f32 v43, v33;
	v34 =	vsub.f32 v39, v41;
	v39 =	vmax.f32 v11, v41;
	v48 =	vld [tilespmem:s24+$0x0];
	v43 =	vpop (erf)  }
0x170: {  	v39 =	vsub.f32 v40, v39;
	v40 =	vmax.f32 v10, v42;
	v30 =	vmul.f32 v43, v30  }
0x171: {  	vm11 =	vgt.f32 v33, $4.499999880e-01;
	v32 =	vmul.f32 v34, v32;
	v34 =	vmin.f32 v17, v36  }
0x172: {  	vm9 =	vmor vm9, vm10;
	v33 =	vmax.f32 v39, $0.0e+00;
	v39 =	vsub.f32 v47, v42  }
0x173: {  	vm6 =	vmor vm6, vm9;
	v49 =	vmin.f32 v17, v47;
	v43 =	vadd.f32 v32, v14  }
0x174: {  	vm5 =	vmor vm5, vm6;
	v50 =	vadd.f32 v32, v19;
	v32 =	vmax.f32 v15, v42  }
0x175: {  	vm6 =	vgt.f32 v30, $4.499999880e-01;
	v42 =	vmin.f32 v13, v48;
	v51 =	vmin.f32 v18, v48  }
0x176: {  	v30 =	vmin.f32 v12, v47;
	v38 =	vsub.f32 v48, v38;
	v45 =	vsub.f32 v51, v45  }
0x177: {  	v35 =	vsub.f32 v34, v35;
	v30 =	vsub.f32 v30, v40;
	vm6 =	vmor vm6, vm11  }
0x178: {  	v34 =	vmin.f32 v12, v36;
	v32 =	vsub.f32 v49, v32;
	v36 =	vmax.f32 v45, $0.0e+00  }
0x179: {  	v34 =	vsub.f32 v34, v37;
	vm6 =	vmor vm8, vm6;
	v37 =	vsub.f32 v42, v44  }
0x17a: {  	v29 =	vsel vm7, v31, v29;
	v30 =	vmax.f32 v30, $0.0e+00;
	vm6 =	vmor vm4, vm6;
	v40 =	vld [tilespmem:s18+$0x0]  }
0x17b: {  	v41 =	vmax.f32 v16, v41;
	v31 =	vmax.f32 v34, $0.0e+00;
	v37 =	vmax.f32 v37, $0.0e+00;
	v42 =	vld [tilespmem:s18+$0xFFFFFFF0]  }
0x17c: {  	v34 =	vmul.f32 v33, v31;
	v31 =	vsub.f32 v46, v41;
	v30 =	vmul.f32 v37, v30  }
0x17d: {  	vm10 =	vlt.s32 v22, v29;
	vm9 =	veq.f32 v23, v25;
	v37 =	vmul.f32 v38, v39  }
0x17e: {  	vm4 =	vgt.f32 v23, v25;
	v33 =	vsub.f32 v43, v34;
	v38 =	vmax.f32 v32, $0.0e+00  }
0x17f: {  	v32 =	vmax.f32 v35, $0.0e+00;
	v31 =	vmax.f32 v31, $0.0e+00;
	v40 =	vsel vm6, $0xFF800000, v40  }
0x180: {  	v35 =	vmul.f32 v31, v32;
	v39 =	vadd.f32 $9.999999710e-10, v33;
	v32 =	vsel vm5, $0xFF800000, v42;
	[tilespmem:s18+$0x0] =	vst v40  }
0x181: {  	s19 =	sadd.s32 $0x20, s19;
	v33 =	vmul.f32 v36, v38;
	v31 =	vadd.f32 v37, v19;
	[tilespmem:s18+$0xFFFFFFF0] =	vst v32;
	vm7 =	vgt.f32 v32, v28;
	s18 =	sadd.s32 $0x20, s18  }
0x182: {  	v36 =	vsub.f32 v50, v35;
	vm5 =	vlt.s32 v26, v27;
	(erf) = vrcp.f32 v39  }
0x183: {  	v31 =	vsub.f32 v31, v33;
	vm6 =	veq.f32 v32, v28;
	v39 =	vor.u32 s19, v8  }
0x184: {  	v36 =	vadd.f32 $9.999999710e-10, v36;
	vm8 =	vmand vm5, vm6;
	v38 =	vadd.s32 v0, v39  }
0x185: {  	v37 =	vadd.f32 v37, v14;
	vm6 =	veq.s32 v38, v9;
	vm5 =	veq.s32 v38, v20  }
0x186: {  	v31 =	vadd.f32 $9.999999710e-10, v31;
	vm7 =	vmor vm7, vm8;
	(erf) = vrcp.f32 v36  }
.Ltmp2:
0x187: {  	v41 =	vsel vm7, v32, v28;
	v36 =	vsub.f32 v37, v30;
	v37 =	vsel vm7, v26, v27;
	(pc) =	sbr.rel @p2 .LBB2_5-.Ltmp2, $4  }
0x188: {  	vm8 =	veq.f32 v40, v41;
	vm11 =	vlt.s32 v24, v37;
	(erf) = vrcp.f32 v31  }
0x189: {  	vm12 =	vgt.f32 v40, v41;
	v38 =	vadd.f32 $9.999999710e-10, v36;
	vm8 =	vmand vm11, vm8  }
0x18a: {  	s21 =	sadd.s32 $0x20, s21;
	vm9 =	vmand vm9, vm10;
	v31 =	vsel vm7, v27, v26;
	v26 =	vmovc v39;
	vm8 =	vmor vm12, vm8  }
0x18b: {  	s22 =	sadd.s32 $0x20, s22;
	s23 =	sadd.s32 $0x20, s23;
	s24 =	sadd.s32 $0x20, s24;
	v28 =	vsel vm8, v40, v41;
	v27 =	vsel vm8, v24, v37;
	v36 =	vsel vm8, v41, v40;
	v39 =	vpop (erf)  }
0x18c: {  	(erf) = vrcp.f32 v38;
	_ =	sdelay $0x3  }
0x18d: {  	v10 =	vpop (erf)  }
0x18e: {  	v10 =	vmul.f32 v10, v35;
	_ =	sdelay $0x1  }
0x18f: {  	v11 =	vmul.f32 v39, v34  }
0x190: {  	v13 =	vld [tilespmem:s18+$0xFFFFFFF0];
	v12 =	vpop (erf)  }
0x191: {  	vm10 =	vgt.f32 v11, $4.499999880e-01;
	vm11 =	vgt.f32 v10, $4.499999880e-01;
	v10 =	vpop (erf)  }
0x192: {  	s19 =	sadd.s32 $0x10, s19;
	vm14 =	vlt.s32 v26, v27;
	vm10 =	vmor vm10, vm11;
	v10 =	vmul.f32 v10, v30  }
0x193: {  	v14 =	vor.u32 s19, v8;
	v11 =	vmul.f32 v12, v33;
	vm6 =	vmor vm6, vm10  }
0x194: {  	v52 =	vadd.s32 v0, v14;
	vm5 =	vmor vm5, vm6;
	vm12 =	vgt.f32 v10, $4.499999880e-01;
	v10 =	vld [tilespmem:s18+$0x0]  }
0x195: {  	vm13 =	veq.s32 v52, v9;
	vm15 =	vgt.f32 v11, $4.499999880e-01;
	v9 =	vsel vm5, $0xFF800000, v13  }
0x196: {  	vm6 =	vmor vm12, vm15;
	vm15 =	veq.f32 v9, v28;
	vm12 =	veq.s32 v52, v20  }
0x197: {  	vm5 =	vmor vm13, vm6;
	vm6 =	vmand vm14, vm15;
	vm13 =	vgt.f32 v9, v28  }
0x198: {  	vm5 =	vmor vm12, vm5;
	vm6 =	vmor vm13, vm6  }
0x199: {  	v11 =	vsel vm6, v9, v28;
	v53 =	vsel vm6, v26, v27;
	v10 =	vsel vm5, $0xFF800000, v10  }
0x19a: {  	vm14 =	vlt.s32 v14, v53;
	vm5 =	veq.f32 v10, v11  }
0x19b: {  	vm15 =	vgt.f32 v10, v11;
	vm5 =	vmand vm14, vm5  }
0x19c: {  	vm5 =	vmor vm15, vm5  }
0x19d: {  	v54 =	vsel vm5, v10, v11  }
0x19e: {  	(xrf0) =	vmax.scan.msk.f32 $0xffff, v54;
	_ =	sdelay $0x5  }
0x19f: {  	v15, _, _ =	vpop (xrf0)  }
0x1a0: {  	v15 =	vbroadcast v15, $0xF  }
0x1a1: {  	v16 =	vsel vm5, v14, v53  }
0x1a2: {  	v17 =	vxor.u32 $0x80000000, v16;
	vm12 =	veq.f32 v54, v15  }
0x1a3: {  	v17 =	vnsel vm12, $0xC0000000, v17  }
0x1a4: {  	(xrf0) =	vmin.scan.msk.u32 $0xffff, v17;
	_ =	sdelay $0x5  }
0x1a5: {  	v17, _, _ =	vpop (xrf0)  }
0x1a6: {  	vm4 =	vmor vm4, vm9;
	(v2sf) =	vpush v17, $0xF  }
0x1a7: {  	v55 =	vsel vm7, v21, v32;
	v18 =	vsel vm4, v23, v25;
	v19 =	vsel vm4, v22, v29  }
0x1a8: {  	vm4 =	veq.f32 v55, v18;
	vm13 =	vlt.s32 v31, v19  }
0x1a9: {  	vm4 =	vmand vm4, vm13;
	vm14 =	vgt.f32 v55, v18  }
0x1aa: {  	vm4 =	vmor vm14, vm4  }
0x1ab: {  	v56 =	vsel vm8, v37, v24;
	v57 =	vsel vm4, v31, v19;
	v17 =	vsel vm4, v55, v18  }
0x1ac: {  	vm15 =	vlt.s32 v56, v57;
	vm4 =	veq.f32 v36, v17  }
0x1ad: {  	vm12 =	vgt.f32 v36, v17;
	vm4 =	vmand vm4, vm15  }
0x1ae: {  	v58 =	vsel vm6, v27, v26;
	vm4 =	vmor vm12, vm4  }
0x1af: {  	v59 =	vsel vm6, v28, v9;
	v17 =	vsel vm4, v36, v17;
	v18 =	vsel vm4, v56, v57  }
0x1b0: {  	vm4 =	veq.f32 v59, v17;
	vm13 =	vlt.s32 v58, v18  }
0x1b1: {  	vm14 =	vgt.f32 v59, v17;
	vm4 =	vmand vm4, vm13  }
0x1b2: {  	v11 =	vsel vm5, v11, v10;
	vm4 =	vmor vm14, vm4  }
0x1b3: {  	v12 =	vsel vm5, v53, v14;
	v60 =	vsel vm4, v59, v17;
	v61 =	vsel vm4, v58, v18  }
0x1b4: {  	vm4 =	veq.f32 v11, v60;
	vm5 =	vlt.s32 v12, v61  }
0x1b5: {  	vm15 =	vgt.f32 v11, v60;
	vm4 =	vmand vm4, vm5;
	s30 =	spop (v2sf)  }
0x1b6: {  	vm4 =	vmor vm15, vm4;
	s19 =	sxor.u32 $0x80000000, s30  }
0x1b7: {  	v11 =	vsel vm4, v11, v60;
	vm5 =	veq.s32 v16, s19  }
0x1b8: {  	v11 =	vsel vm5, v11, v54  }
0x1b9: {  	(xrf0) =	vmax.scan.msk.f32 $0xffff, v11;
	_ =	sdelay $0x5  }
0x1ba: {  	v62, _, _ =	vpop (xrf0)  }
0x1bb: {  	v12 =	vsel vm4, v12, v61;
	v13 =	vbroadcast v62, $0xF  }
0x1bc: {  	v12 =	vsel vm5, v12, v16  }
0x1bd: {  	v63 =	vmov s19;
	s19 =	sadd.s32 s3, s19;
	vm4 =	veq.f32 v11, v13;
	v11 =	vxor.u32 $0x80000000, v12  }
0x1be: {  	[tilespmem:s18+$0x0] =	vst v10;
	v10 =	vnsel vm4, $0xC0000000, v11;
	v11 =	vmov s19  }
0x1bf: {  	[tilespmem:s18+$0xFFFFFFF0] =	vst v9;
	(xrf0) =	vmin.scan.msk.u32 $0xffff, v10;
	v9 =	vbroadcast v11, $0x0  }
0x1c0: {  	[tilespmem:$0x1900] =	vst v15  }
0x1c1: {  	[tilespmem:$0x1910] =	vst v9  }
0x1c2: {  	v9 =	vld.idx.msk [tilespmem:v63+s7+$0x0], $0xffff;
	_ =	sdelay $0x2  }
0x1c3: {  	v10, _, _ =	vpop (xrf0)  }
0x1c4: {  	(v2sf) =	vpush v10, $0xF  }
0x1c5: {  	[tilespmem:$0x1920] =	vst v9  }
0x1c6: {  	v9 =	vld.idx.msk [tilespmem:v63+s8+$0x0], $0xffff;
	_ =	sdelay $0x4  }
0x1c7: {  	[tilespmem:$0x1930] =	vst v9  }
0x1c8: {  	v9 =	vld.idx.msk [tilespmem:v63+s9+$0x0], $0xffff;
	_ =	sdelay $0x4  }
0x1c9: {  	[tilespmem:$0x1940] =	vst v9  }
0x1ca: {  	v9 =	vld.idx.msk [tilespmem:v63+s10+$0x0], $0xffff  }
0x1cb: {  	s31 =	spop (v2sf)  }
0x1cc: {  	s18 =	sxor.u32 $0x80000000, s31  }
0x1cd: {  	v10 =	vmov s18;
	s18 =	sadd.s32 s3, s18  }
0x1ce: {  	v11 =	vmov s18  }
0x1cf: {  	[tilespmem:$0x1950] =	vst v9;
	v9 =	vbroadcast v11, $0x0  }
0x1d0: {  	[tilespmem:$0x1980] =	vst v13  }
0x1d1: {  	[tilespmem:$0x1990] =	vst v9  }
0x1d2: {  	v9 =	vld.idx.msk [tilespmem:v10+s7+$0x0], $0xffff;
	_ =	sdelay $0x4  }
0x1d3: {  	[tilespmem:$0x19A0] =	vst v9  }
0x1d4: {  	v9 =	vld.idx.msk [tilespmem:v10+s8+$0x0], $0xffff;
	_ =	sdelay $0x4  }
0x1d5: {  	[tilespmem:$0x19B0] =	vst v9  }
0x1d6: {  	v9 =	vld.idx.msk [tilespmem:v10+s9+$0x0], $0xffff;
	_ =	sdelay $0x2  }
0x1d7: {  	s18 =	simm.s32 $0x2  }
0x1d8: {  	s18 =	simm.s32 @!p1 $0x1  }
0x1d9: {  	s17 =	sadd.s32 s17, s18;
	[tilespmem:$0x19C0] =	vst v9  }
0x1da: {  	p1 =	slt.u32 s17, $0x12C;
	v9 =	vld.idx.msk [tilespmem:v10+s10+$0x0], $0xffff  }
.Ltmp3:
0x1db: {  	_ = 	snop;
	(pc) =	sbr.rel @p1 .LBB2_4-.Ltmp3, $2  }
0x1dc: {  	_ =	sdelay $0x2  }
0x1dd: {  	s16 =	sadd.s32 $0x1, s16;
	[tilespmem:$0x19D0] =	vst v9  }
0x1de: {  	s2 =	simm.s32 @!p0 $0x0;
	s3 =	simm.s32 @!p0 $0x2A00  }
0x1df: {  	[hbm4b:s4+s2] =	stream.linear.scatter @!p0 [tilespmem:s3], [sflag:$0x1], $0x1300, $0x38;
	[tilespmem:$0x3F00] =	vst v63  }
0x1e0: {  	s2 =	simm.s32 @!p0 $0x1  }
0x1e1: {  	_ =	swait.ge @!p0 [sflag:s2], $0x1300  }
0x1e2: {  	[sflag:s2] =	ssyncset.done @!p0 $0x0  }
0x1e3: {  	[sflag:s2] =	ssyncadd.s32 @!p0 $0xFFFFED00  }
.LBB2_8:
0x1e4: {  	_ =	sfence.sel $0x180000  }
0x1e5: {  	[bflag:$0x0] =	sbarrier.arrive $0xFFFF  }
0x1e6: {  	p0 =	sne.s32 s1, $0x0;
	_ =	strace $0x90000047  }
0x1e7: {  	s0 =	sadd.s32 @!p0 $0x100000, s0;
	[bflag:$0x2] =	sbarrier.arrive $0xFFFF  }
0x1e8: {  	[sflag:s0] =	ssyncadd.tile.s32 @!p0 $0x1;
	_ =	shalt  }
.Lfunc_end2:
_tile_overlayer_lowered:
.L_overlay_start_2:
0x1e9: {  	(tag) =	ssettag $0x2  }
0x1ea: {  	s0 =	rddreg [dreg:$0x0];
	s2 =	stileid.u32  }
0x1eb: {  	s1 =	rddreg [dreg:$0x1];
	p0 =	sne.s32 s2, $0x0  }
0x1ec: {  	s3 =	rddreg [dreg:$0x2];
	[bflag:$0x3] =	sbarrier.arrive $0xFFFF;
	s2 =	simm.s32 @!p0 $0x1C01  }
0x1ed: {  	[timem:s3], [sflag:s2] =	dma.local @!p0 [hbm:s0], s1  }
0x1ee: {  	s0 =	simm.s32 @!p0 $0x1  }
0x1ef: {  	_ =	swait.ge @!p0 [sflag:s0], s1  }
0x1f0: {  	s1 =	ssub.s32 @!p0 $0x0, s1;
	[sflag:s0] =	ssyncset.done @!p0 $0x0  }
0x1f1: {  	[sflag:s0] =	ssyncadd.s32 @!p0 s1  }
0x1f2: {  	[bflag:$0x3] =	sbarrier.arrive $0xFFFF  }
0x1f3: {  	_ =	shalt  }

</sc_bundles>
